<compile_context>
chip_gen: v7x
topology: tpu7x:2x2x1
jax: 0.10.2.dev20260603
libtpu: 0.0.44.dev20260713+nightly
codegen_flags: <defaults>
</compile_context>

<pallas_src>
import functools

import jax
import jax.numpy as jnp
from jax import lax
from jax.experimental import pallas as pl
from jax.experimental.pallas import tpu as pltpu
from jax.experimental.pallas import tpu_sc as plsc

_N_ROWS = 1_000_000
_BATCH = 16384

_NC = 2
_NS = 16
_NW = _NC * _NS
_B_PER_W = _BATCH // _NW
_CHUNK = 64
_NCHUNK = _B_PER_W // _CHUNK


@functools.partial(
    pl.kernel,
    out_type=jax.ShapeDtypeStruct((_NW, _NCHUNK, _CHUNK), jnp.float32),
    mesh=plsc.VectorSubcoreMesh(core_axis_name="c", subcore_axis_name="s"),
    scratch_types=[
        pltpu.VMEM((_NCHUNK, _CHUNK), jnp.int32),
        pltpu.VMEM((_NCHUNK, _CHUNK), jnp.float32),
        pltpu.SemaphoreType.DMA((_NCHUNK,)),
        pltpu.SemaphoreType.DMA,
    ],
)
def _gather_kernel(idx_hbm, table_hbm, out_hbm, idx_v, rows_v, gsem, osem):
    wid = lax.axis_index("s") * _NC + lax.axis_index("c")
    pltpu.sync_copy(idx_hbm.at[wid], idx_v)
    gathers = [
        pltpu.async_copy(table_hbm.at[idx_v.at[j]], rows_v.at[j], gsem.at[j])
        for j in range(_NCHUNK)
    ]
    writes = []
    for j in range(_NCHUNK):
        gathers[j].wait()
        writes.append(pltpu.async_copy(rows_v.at[j], out_hbm.at[wid, j], osem))
    for w in writes:
        w.wait()


def kernel(td_id, bias_weight):
    idx = td_id.astype(jnp.int32).reshape(_NW, _NCHUNK, _CHUNK)
    table = bias_weight.reshape(_N_ROWS)
    out = _gather_kernel(idx, table)
    return out.reshape(_BATCH, 1)

# --- scband reference (transcript-rebuilt; emitter-appended) ---
"""Pipeline reference for scband-tdbias-28389733827067 (READ-ONLY COPY).

The authoritative reference and input builder live on the scoring server;
editing this copy changes nothing except your own understanding.
"""

import jax, jax.numpy as jnp
import numpy as np

N_TD = 1000000
BATCH = 16384

def setup_inputs(seed: int = 0) -> dict:
    key = jax.random.key(seed)
    k1, k2 = jax.random.split(key)
    td_id = jax.random.randint(k1, (BATCH,), 0, N_TD, dtype=jnp.int64 if jax.config.jax_enable_x64 else jnp.int32)
    # module initializes bias weights to zeros (nn.init.zeros_)
    bias_weight = jnp.zeros((N_TD, 1), dtype=jnp.float32)
    return {"td_id": td_id, "bias_weight": bias_weight}

def reference(td_id, bias_weight):
    # nn.Embedding lookup: gather rows of the bias table
    return jnp.take(bias_weight, td_id, axis=0)

if __name__ == "__main__":
    import jax
    _d = setup_inputs()
    print(jax.jit(kernel)(*tuple(_d.values())))

</pallas_src>

<mosaic_0001>
#map = affine_map<(d0, d1) -> (0, 0, 0)>
#map1 = affine_map<(d0, d1) -> (0)>
module attributes {stable_mosaic.version = 14 : i64} {
  func.func @_gather_kernel(%arg0: i32, %arg1: i32, %arg2: memref<32x8x64xi32, #tpu.memory_space<hbm>>, %arg3: memref<1000000xf32, #tpu.memory_space<hbm>>, %arg4: memref<32x8x64xf32, #tpu.memory_space<hbm>>, %arg5: memref<8x64xi32, #tpu.memory_space<vmem>>, %arg6: memref<8x64xf32, #tpu.memory_space<vmem>>, %arg7: memref<8x!tpu.dma_semaphore, #tpu.memory_space<semaphore_mem>>, %arg8: memref<!tpu.dma_semaphore, #tpu.memory_space<semaphore_mem>>) attributes {dimension_semantics = [#tpu.dimension_semantics<core_parallel>, #tpu.dimension_semantics<subcore_parallel>], iteration_bounds = array<i64: 2, 16>, scalar_prefetch = 0 : i64, scratch_operands = 4 : i64, tpu.core_type = #tpu.core_type<sc_vector_subcore>, window_params = [{transform_indices = #map}, {transform_indices = #map1}, {transform_indices = #map}]} {
    %mul3A = arith.constant 2 : i32
    %mul3A_0 = arith.muli %arg1, %mul3A : i32
    %add3A = arith.addi %mul3A_0, %arg0 : i32
    "tpu.region"() ({
      %run_scoped3A = tpu.sem_alloc : memref<!tpu.dma_semaphore, #tpu.memory_space<semaphore_mem>>
      %dma_start3A_431 = arith.constant 0 : i32
      %dma_start3A_432 = arith.constant 0 : i32
      %dma_start3A_433 = tpu.memref_slice %arg2[%add3A, %dma_start3A_431, %dma_start3A_432] : memref<32x8x64xi32, #tpu.memory_space<hbm>> -> memref<1x8x64xi32, #tpu.memory_space<hbm>>
      %dma_start3A_434 = tpu.memref_squeeze %dma_start3A_433 : memref<1x8x64xi32, #tpu.memory_space<hbm>> -> memref<8x64xi32, #tpu.memory_space<hbm>>
      %dma_start3A_435 = arith.constant 0 : i32
      %dma_start3A_436 = arith.constant 0 : i32
      %dma_start3A_437 = tpu.memref_slice %arg2[%add3A, %dma_start3A_435, %dma_start3A_436] : memref<32x8x64xi32, #tpu.memory_space<hbm>> -> memref<1x8x64xi32, #tpu.memory_space<hbm>>
      %dma_start3A_438 = tpu.memref_squeeze %dma_start3A_437 : memref<1x8x64xi32, #tpu.memory_space<hbm>> -> memref<8x64xi32, #tpu.memory_space<hbm>>
      tpu.enqueue_dma source(%dma_start3A_438 : memref<8x64xi32, #tpu.memory_space<hbm>>) target(%arg5 : memref<8x64xi32, #tpu.memory_space<vmem>>) target_semaphore(%run_scoped3A : memref<!tpu.dma_semaphore, #tpu.memory_space<semaphore_mem>>)
      %dma_wait3A_439 = arith.constant 0 : i32
      %dma_wait3A_440 = arith.constant 0 : i32
      %dma_wait3A_441 = tpu.memref_slice %arg2[%add3A, %dma_wait3A_439, %dma_wait3A_440] : memref<32x8x64xi32, #tpu.memory_space<hbm>> -> memref<1x8x64xi32, #tpu.memory_space<hbm>>
      %dma_wait3A_442 = tpu.memref_squeeze %dma_wait3A_441 : memref<1x8x64xi32, #tpu.memory_space<hbm>> -> memref<8x64xi32, #tpu.memory_space<hbm>>
      %dma_wait3A_443 = arith.constant 0 : i32
      %dma_wait3A_444 = arith.constant 0 : i32
      %dma_wait3A_445 = tpu.memref_slice %arg2[%add3A, %dma_wait3A_443, %dma_wait3A_444] : memref<32x8x64xi32, #tpu.memory_space<hbm>> -> memref<1x8x64xi32, #tpu.memory_space<hbm>>
      %dma_wait3A_446 = tpu.memref_squeeze %dma_wait3A_445 : memref<1x8x64xi32, #tpu.memory_space<hbm>> -> memref<8x64xi32, #tpu.memory_space<hbm>>
      tpu.wait_dma2 semaphore(%run_scoped3A : memref<!tpu.dma_semaphore, #tpu.memory_space<semaphore_mem>>) src(%dma_wait3A_446 : memref<8x64xi32, #tpu.memory_space<hbm>>) dst(%arg5 : memref<8x64xi32, #tpu.memory_space<vmem>>)
      tpu.yield
    }) : () -> ()
    %dma_start3A = arith.constant 0 : i32
    %dma_start3A_1 = arith.constant 0 : i32
    %dma_start3A_2 = arith.constant 0 : i32
    %dma_start3A_3 = arith.constant 0 : i32
    %dma_start3A_4 = tpu.memref_slice %arg6[%dma_start3A_1, %dma_start3A_3] : memref<8x64xf32, #tpu.memory_space<vmem>> -> memref<1x64xf32, #tpu.memory_space<vmem>>
    %dma_start3A_5 = tpu.memref_squeeze %dma_start3A_4 : memref<1x64xf32, #tpu.memory_space<vmem>> -> memref<64xf32, #tpu.memory_space<vmem>>
    %dma_start3A_6 = arith.constant 0 : i32
    %dma_start3A_7 = tpu.memref_slice %arg5[%dma_start3A, %dma_start3A_6] : memref<8x64xi32, #tpu.memory_space<vmem>> -> memref<1x64xi32, #tpu.memory_space<vmem>>
    %dma_start3A_8 = tpu.memref_squeeze %dma_start3A_7 : memref<1x64xi32, #tpu.memory_space<vmem>> -> memref<64xi32, #tpu.memory_space<vmem>>
    %dma_start3A_9 = arith.constant 0 : i32
    %dma_start3A_10 = tpu.memref_slice %arg3[%dma_start3A_9] : memref<1000000xf32, #tpu.memory_space<hbm>> -> memref<1000000xf32, #tpu.memory_space<hbm>>
    %dma_start3A_11 = tpu.memref_slice %arg7[%dma_start3A_2] : memref<8x!tpu.dma_semaphore, #tpu.memory_space<semaphore_mem>> -> memref<1x!tpu.dma_semaphore, #tpu.memory_space<semaphore_mem>>
    %dma_start3A_12 = tpu.memref_squeeze %dma_start3A_11 : memref<1x!tpu.dma_semaphore, #tpu.memory_space<semaphore_mem>> -> memref<!tpu.dma_semaphore, #tpu.memory_space<semaphore_mem>>
    tpu.enqueue_indirect_dma source(%dma_start3A_10 : memref<1000000xf32, #tpu.memory_space<hbm>>) target(%dma_start3A_5 : memref<64xf32, #tpu.memory_space<vmem>>) offsets(%dma_start3A_8 : memref<64xi32, #tpu.memory_space<vmem>>) semaphore(%dma_start3A_12 : memref<!tpu.dma_semaphore, #tpu.memory_space<semaphore_mem>>)
    %dma_start3A_13 = arith.constant 1 : i32
    %dma_start3A_14 = arith.constant 1 : i32
    %dma_start3A_15 = arith.constant 1 : i32
    %dma_start3A_16 = arith.constant 0 : i32
    %dma_start3A_17 = tpu.memref_slice %arg6[%dma_start3A_14, %dma_start3A_16] : memref<8x64xf32, #tpu.memory_space<vmem>> -> memref<1x64xf32, #tpu.memory_space<vmem>>
    %dma_start3A_18 = tpu.memref_squeeze %dma_start3A_17 : memref<1x64xf32, #tpu.memory_space<vmem>> -> memref<64xf32, #tpu.memory_space<vmem>>
    %dma_start3A_19 = arith.constant 0 : i32
    %dma_start3A_20 = tpu.memref_slice %arg5[%dma_start3A_13, %dma_start3A_19] : memref<8x64xi32, #tpu.memory_space<vmem>> -> memref<1x64xi32, #tpu.memory_space<vmem>>
    %dma_start3A_21 = tpu.memref_squeeze %dma_start3A_20 : memref<1x64xi32, #tpu.memory_space<vmem>> -> memref<64xi32, #tpu.memory_space<vmem>>
    %dma_start3A_22 = arith.constant 0 : i32
    %dma_start3A_23 = tpu.memref_slice %arg3[%dma_start3A_22] : memref<1000000xf32, #tpu.memory_space<hbm>> -> memref<1000000xf32, #tpu.memory_space<hbm>>
    %dma_start3A_24 = tpu.memref_slice %arg7[%dma_start3A_15] : memref<8x!tpu.dma_semaphore, #tpu.memory_space<semaphore_mem>> -> memref<1x!tpu.dma_semaphore, #tpu.memory_space<semaphore_mem>>
    %dma_start3A_25 = tpu.memref_squeeze %dma_start3A_24 : memref<1x!tpu.dma_semaphore, #tpu.memory_space<semaphore_mem>> -> memref<!tpu.dma_semaphore, #tpu.memory_space<semaphore_mem>>
    tpu.enqueue_indirect_dma source(%dma_start3A_23 : memref<1000000xf32, #tpu.memory_space<hbm>>) target(%dma_start3A_18 : memref<64xf32, #tpu.memory_space<vmem>>) offsets(%dma_start3A_21 : memref<64xi32, #tpu.memory_space<vmem>>) semaphore(%dma_start3A_25 : memref<!tpu.dma_semaphore, #tpu.memory_space<semaphore_mem>>)
    %dma_start3A_26 = arith.constant 2 : i32
    %dma_start3A_27 = arith.constant 2 : i32
    %dma_start3A_28 = arith.constant 2 : i32
    %dma_start3A_29 = arith.constant 0 : i32
    %dma_start3A_30 = tpu.memref_slice %arg6[%dma_start3A_27, %dma_start3A_29] : memref<8x64xf32, #tpu.memory_space<vmem>> -> memref<1x64xf32, #tpu.memory_space<vmem>>
    %dma_start3A_31 = tpu.memref_squeeze %dma_start3A_30 : memref<1x64xf32, #tpu.memory_space<vmem>> -> memref<64xf32, #tpu.memory_space<vmem>>
    %dma_start3A_32 = arith.constant 0 : i32
    %dma_start3A_33 = tpu.memref_slice %arg5[%dma_start3A_26, %dma_start3A_32] : memref<8x64xi32, #tpu.memory_space<vmem>> -> memref<1x64xi32, #tpu.memory_space<vmem>>
    %dma_start3A_34 = tpu.memref_squeeze %dma_start3A_33 : memref<1x64xi32, #tpu.memory_space<vmem>> -> memref<64xi32, #tpu.memory_space<vmem>>
    %dma_start3A_35 = arith.constant 0 : i32
    %dma_start3A_36 = tpu.memref_slice %arg3[%dma_start3A_35] : memref<1000000xf32, #tpu.memory_space<hbm>> -> memref<1000000xf32, #tpu.memory_space<hbm>>
    %dma_start3A_37 = tpu.memref_slice %arg7[%dma_start3A_28] : memref<8x!tpu.dma_semaphore, #tpu.memory_space<semaphore_mem>> -> memref<1x!tpu.dma_semaphore, #tpu.memory_space<semaphore_mem>>
    %dma_start3A_38 = tpu.memref_squeeze %dma_start3A_37 : memref<1x!tpu.dma_semaphore, #tpu.memory_space<semaphore_mem>> -> memref<!tpu.dma_semaphore, #tpu.memory_space<semaphore_mem>>
    tpu.enqueue_indirect_dma source(%dma_start3A_36 : memref<1000000xf32, #tpu.memory_space<hbm>>) target(%dma_start3A_31 : memref<64xf32, #tpu.memory_space<vmem>>) offsets(%dma_start3A_34 : memref<64xi32, #tpu.memory_space<vmem>>) semaphore(%dma_start3A_38 : memref<!tpu.dma_semaphore, #tpu.memory_space<semaphore_mem>>)
    %dma_start3A_39 = arith.constant 3 : i32
    %dma_start3A_40 = arith.constant 3 : i32
    %dma_start3A_41 = arith.constant 3 : i32
    %dma_start3A_42 = arith.constant 0 : i32
    %dma_start3A_43 = tpu.memref_slice %arg6[%dma_start3A_40, %dma_start3A_42] : memref<8x64xf32, #tpu.memory_space<vmem>> -> memref<1x64xf32, #tpu.memory_space<vmem>>
    %dma_start3A_44 = tpu.memref_squeeze %dma_start3A_43 : memref<1x64xf32, #tpu.memory_space<vmem>> -> memref<64xf32, #tpu.memory_space<vmem>>
    %dma_start3A_45 = arith.constant 0 : i32
    %dma_start3A_46 = tpu.memref_slice %arg5[%dma_start3A_39, %dma_start3A_45] : memref<8x64xi32, #tpu.memory_space<vmem>> -> memref<1x64xi32, #tpu.memory_space<vmem>>
    %dma_start3A_47 = tpu.memref_squeeze %dma_start3A_46 : memref<1x64xi32, #tpu.memory_space<vmem>> -> memref<64xi32, #tpu.memory_space<vmem>>
    %dma_start3A_48 = arith.constant 0 : i32
    %dma_start3A_49 = tpu.memref_slice %arg3[%dma_start3A_48] : memref<1000000xf32, #tpu.memory_space<hbm>> -> memref<1000000xf32, #tpu.memory_space<hbm>>
    %dma_start3A_50 = tpu.memref_slice %arg7[%dma_start3A_41] : memref<8x!tpu.dma_semaphore, #tpu.memory_space<semaphore_mem>> -> memref<1x!tpu.dma_semaphore, #tpu.memory_space<semaphore_mem>>
    %dma_start3A_51 = tpu.memref_squeeze %dma_start3A_50 : memref<1x!tpu.dma_semaphore, #tpu.memory_space<semaphore_mem>> -> memref<!tpu.dma_semaphore, #tpu.memory_space<semaphore_mem>>
    tpu.enqueue_indirect_dma source(%dma_start3A_49 : memref<1000000xf32, #tpu.memory_space<hbm>>) target(%dma_start3A_44 : memref<64xf32, #tpu.memory_space<vmem>>) offsets(%dma_start3A_47 : memref<64xi32, #tpu.memory_space<vmem>>) semaphore(%dma_start3A_51 : memref<!tpu.dma_semaphore, #tpu.memory_space<semaphore_mem>>)
    %dma_start3A_52 = arith.constant 4 : i32
    %dma_start3A_53 = arith.constant 4 : i32
    %dma_start3A_54 = arith.constant 4 : i32
    %dma_start3A_55 = arith.constant 0 : i32
    %dma_start3A_56 = tpu.memref_slice %arg6[%dma_start3A_53, %dma_start3A_55] : memref<8x64xf32, #tpu.memory_space<vmem>> -> memref<1x64xf32, #tpu.memory_space<vmem>>
    %dma_start3A_57 = tpu.memref_squeeze %dma_start3A_56 : memref<1x64xf32, #tpu.memory_space<vmem>> -> memref<64xf32, #tpu.memory_space<vmem>>
    %dma_start3A_58 = arith.constant 0 : i32
    %dma_start3A_59 = tpu.memref_slice %arg5[%dma_start3A_52, %dma_start3A_58] : memref<8x64xi32, #tpu.memory_space<vmem>> -> memref<1x64xi32, #tpu.memory_space<vmem>>
    %dma_start3A_60 = tpu.memref_squeeze %dma_start3A_59 : memref<1x64xi32, #tpu.memory_space<vmem>> -> memref<64xi32, #tpu.memory_space<vmem>>
    %dma_start3A_61 = arith.constant 0 : i32
    %dma_start3A_62 = tpu.memref_slice %arg3[%dma_start3A_61] : memref<1000000xf32, #tpu.memory_space<hbm>> -> memref<1000000xf32, #tpu.memory_space<hbm>>
    %dma_start3A_63 = tpu.memref_slice %arg7[%dma_start3A_54] : memref<8x!tpu.dma_semaphore, #tpu.memory_space<semaphore_mem>> -> memref<1x!tpu.dma_semaphore, #tpu.memory_space<semaphore_mem>>
    %dma_start3A_64 = tpu.memref_squeeze %dma_start3A_63 : memref<1x!tpu.dma_semaphore, #tpu.memory_space<semaphore_mem>> -> memref<!tpu.dma_semaphore, #tpu.memory_space<semaphore_mem>>
    tpu.enqueue_indirect_dma source(%dma_start3A_62 : memref<1000000xf32, #tpu.memory_space<hbm>>) target(%dma_start3A_57 : memref<64xf32, #tpu.memory_space<vmem>>) offsets(%dma_start3A_60 : memref<64xi32, #tpu.memory_space<vmem>>) semaphore(%dma_start3A_64 : memref<!tpu.dma_semaphore, #tpu.memory_space<semaphore_mem>>)
    %dma_start3A_65 = arith.constant 5 : i32
    %dma_start3A_66 = arith.constant 5 : i32
    %dma_start3A_67 = arith.constant 5 : i32
    %dma_start3A_68 = arith.constant 0 : i32
    %dma_start3A_69 = tpu.memref_slice %arg6[%dma_start3A_66, %dma_start3A_68] : memref<8x64xf32, #tpu.memory_space<vmem>> -> memref<1x64xf32, #tpu.memory_space<vmem>>
    %dma_start3A_70 = tpu.memref_squeeze %dma_start3A_69 : memref<1x64xf32, #tpu.memory_space<vmem>> -> memref<64xf32, #tpu.memory_space<vmem>>
    %dma_start3A_71 = arith.constant 0 : i32
    %dma_start3A_72 = tpu.memref_slice %arg5[%dma_start3A_65, %dma_start3A_71] : memref<8x64xi32, #tpu.memory_space<vmem>> -> memref<1x64xi32, #tpu.memory_space<vmem>>
    %dma_start3A_73 = tpu.memref_squeeze %dma_start3A_72 : memref<1x64xi32, #tpu.memory_space<vmem>> -> memref<64xi32, #tpu.memory_space<vmem>>
    %dma_start3A_74 = arith.constant 0 : i32
    %dma_start3A_75 = tpu.memref_slice %arg3[%dma_start3A_74] : memref<1000000xf32, #tpu.memory_space<hbm>> -> memref<1000000xf32, #tpu.memory_space<hbm>>
    %dma_start3A_76 = tpu.memref_slice %arg7[%dma_start3A_67] : memref<8x!tpu.dma_semaphore, #tpu.memory_space<semaphore_mem>> -> memref<1x!tpu.dma_semaphore, #tpu.memory_space<semaphore_mem>>
    %dma_start3A_77 = tpu.memref_squeeze %dma_start3A_76 : memref<1x!tpu.dma_semaphore, #tpu.memory_space<semaphore_mem>> -> memref<!tpu.dma_semaphore, #tpu.memory_space<semaphore_mem>>
    tpu.enqueue_indirect_dma source(%dma_start3A_75 : memref<1000000xf32, #tpu.memory_space<hbm>>) target(%dma_start3A_70 : memref<64xf32, #tpu.memory_space<vmem>>) offsets(%dma_start3A_73 : memref<64xi32, #tpu.memory_space<vmem>>) semaphore(%dma_start3A_77 : memref<!tpu.dma_semaphore, #tpu.memory_space<semaphore_mem>>)
    %dma_start3A_78 = arith.constant 6 : i32
    %dma_start3A_79 = arith.constant 6 : i32
    %dma_start3A_80 = arith.constant 6 : i32
    %dma_start3A_81 = arith.constant 0 : i32
    %dma_start3A_82 = tpu.memref_slice %arg6[%dma_start3A_79, %dma_start3A_81] : memref<8x64xf32, #tpu.memory_space<vmem>> -> memref<1x64xf32, #tpu.memory_space<vmem>>
    %dma_start3A_83 = tpu.memref_squeeze %dma_start3A_82 : memref<1x64xf32, #tpu.memory_space<vmem>> -> memref<64xf32, #tpu.memory_space<vmem>>
    %dma_start3A_84 = arith.constant 0 : i32
    %dma_start3A_85 = tpu.memref_slice %arg5[%dma_start3A_78, %dma_start3A_84] : memref<8x64xi32, #tpu.memory_space<vmem>> -> memref<1x64xi32, #tpu.memory_space<vmem>>
    %dma_start3A_86 = tpu.memref_squeeze %dma_start3A_85 : memref<1x64xi32, #tpu.memory_space<vmem>> -> memref<64xi32, #tpu.memory_space<vmem>>
    %dma_start3A_87 = arith.constant 0 : i32
    %dma_start3A_88 = tpu.memref_slice %arg3[%dma_start3A_87] : memref<1000000xf32, #tpu.memory_space<hbm>> -> memref<1000000xf32, #tpu.memory_space<hbm>>
    %dma_start3A_89 = tpu.memref_slice %arg7[%dma_start3A_80] : memref<8x!tpu.dma_semaphore, #tpu.memory_space<semaphore_mem>> -> memref<1x!tpu.dma_semaphore, #tpu.memory_space<semaphore_mem>>
    %dma_start3A_90 = tpu.memref_squeeze %dma_start3A_89 : memref<1x!tpu.dma_semaphore, #tpu.memory_space<semaphore_mem>> -> memref<!tpu.dma_semaphore, #tpu.memory_space<semaphore_mem>>
    tpu.enqueue_indirect_dma source(%dma_start3A_88 : memref<1000000xf32, #tpu.memory_space<hbm>>) target(%dma_start3A_83 : memref<64xf32, #tpu.memory_space<vmem>>) offsets(%dma_start3A_86 : memref<64xi32, #tpu.memory_space<vmem>>) semaphore(%dma_start3A_90 : memref<!tpu.dma_semaphore, #tpu.memory_space<semaphore_mem>>)
    %dma_start3A_91 = arith.constant 7 : i32
    %dma_start3A_92 = arith.constant 7 : i32
    %dma_start3A_93 = arith.constant 7 : i32
    %dma_start3A_94 = arith.constant 0 : i32
    %dma_start3A_95 = tpu.memref_slice %arg6[%dma_start3A_92, %dma_start3A_94] : memref<8x64xf32, #tpu.memory_space<vmem>> -> memref<1x64xf32, #tpu.memory_space<vmem>>
    %dma_start3A_96 = tpu.memref_squeeze %dma_start3A_95 : memref<1x64xf32, #tpu.memory_space<vmem>> -> memref<64xf32, #tpu.memory_space<vmem>>
    %dma_start3A_97 = arith.constant 0 : i32
    %dma_start3A_98 = tpu.memref_slice %arg5[%dma_start3A_91, %dma_start3A_97] : memref<8x64xi32, #tpu.memory_space<vmem>> -> memref<1x64xi32, #tpu.memory_space<vmem>>
    %dma_start3A_99 = tpu.memref_squeeze %dma_start3A_98 : memref<1x64xi32, #tpu.memory_space<vmem>> -> memref<64xi32, #tpu.memory_space<vmem>>
    %dma_start3A_100 = arith.constant 0 : i32
    %dma_start3A_101 = tpu.memref_slice %arg3[%dma_start3A_100] : memref<1000000xf32, #tpu.memory_space<hbm>> -> memref<1000000xf32, #tpu.memory_space<hbm>>
    %dma_start3A_102 = tpu.memref_slice %arg7[%dma_start3A_93] : memref<8x!tpu.dma_semaphore, #tpu.memory_space<semaphore_mem>> -> memref<1x!tpu.dma_semaphore, #tpu.memory_space<semaphore_mem>>
    %dma_start3A_103 = tpu.memref_squeeze %dma_start3A_102 : memref<1x!tpu.dma_semaphore, #tpu.memory_space<semaphore_mem>> -> memref<!tpu.dma_semaphore, #tpu.memory_space<semaphore_mem>>
    tpu.enqueue_indirect_dma source(%dma_start3A_101 : memref<1000000xf32, #tpu.memory_space<hbm>>) target(%dma_start3A_96 : memref<64xf32, #tpu.memory_space<vmem>>) offsets(%dma_start3A_99 : memref<64xi32, #tpu.memory_space<vmem>>) semaphore(%dma_start3A_103 : memref<!tpu.dma_semaphore, #tpu.memory_space<semaphore_mem>>)
    %dma_wait3A = arith.constant 0 : i32
    %dma_wait3A_104 = arith.constant 0 : i32
    %dma_wait3A_105 = arith.constant 0 : i32
    %dma_wait3A_106 = arith.constant 0 : i32
    %dma_wait3A_107 = tpu.memref_slice %arg6[%dma_wait3A_104, %dma_wait3A_106] : memref<8x64xf32, #tpu.memory_space<vmem>> -> memref<1x64xf32, #tpu.memory_space<vmem>>
    %dma_wait3A_108 = tpu.memref_squeeze %dma_wait3A_107 : memref<1x64xf32, #tpu.memory_space<vmem>> -> memref<64xf32, #tpu.memory_space<vmem>>
    %dma_wait3A_109 = arith.constant 0 : i32
    %dma_wait3A_110 = tpu.memref_slice %arg5[%dma_wait3A, %dma_wait3A_109] : memref<8x64xi32, #tpu.memory_space<vmem>> -> memref<1x64xi32, #tpu.memory_space<vmem>>
    %dma_wait3A_111 = tpu.memref_squeeze %dma_wait3A_110 : memref<1x64xi32, #tpu.memory_space<vmem>> -> memref<64xi32, #tpu.memory_space<vmem>>
    %dma_wait3A_112 = arith.constant 0 : i32
    %dma_wait3A_113 = tpu.memref_slice %arg3[%dma_wait3A_112] : memref<1000000xf32, #tpu.memory_space<hbm>> -> memref<1000000xf32, #tpu.memory_space<hbm>>
    %dma_wait3A_114 = tpu.memref_slice %arg7[%dma_wait3A_105] : memref<8x!tpu.dma_semaphore, #tpu.memory_space<semaphore_mem>> -> memref<1x!tpu.dma_semaphore, #tpu.memory_space<semaphore_mem>>
    %dma_wait3A_115 = tpu.memref_squeeze %dma_wait3A_114 : memref<1x!tpu.dma_semaphore, #tpu.memory_space<semaphore_mem>> -> memref<!tpu.dma_semaphore, #tpu.memory_space<semaphore_mem>>
    tpu.wait_indirect_dma semaphore(%dma_wait3A_115 : memref<!tpu.dma_semaphore, #tpu.memory_space<semaphore_mem>>) src(%dma_wait3A_113 : memref<1000000xf32, #tpu.memory_space<hbm>>) dst(%dma_wait3A_108 : memref<64xf32, #tpu.memory_space<vmem>>)
    %dma_start3A_116 = arith.constant 0 : i32
    %dma_start3A_117 = arith.constant 0 : i32
    %dma_start3A_118 = arith.constant 0 : i32
    %dma_start3A_119 = tpu.memref_slice %arg6[%dma_start3A_116, %dma_start3A_118] : memref<8x64xf32, #tpu.memory_space<vmem>> -> memref<1x64xf32, #tpu.memory_space<vmem>>
    %dma_start3A_120 = tpu.memref_squeeze %dma_start3A_119 : memref<1x64xf32, #tpu.memory_space<vmem>> -> memref<64xf32, #tpu.memory_space<vmem>>
    %dma_start3A_121 = arith.constant 0 : i32
    %dma_start3A_122 = tpu.memref_slice %arg4[%add3A, %dma_start3A_117, %dma_start3A_121] : memref<32x8x64xf32, #tpu.memory_space<hbm>> -> memref<1x1x64xf32, #tpu.memory_space<hbm>>
    %dma_start3A_123 = tpu.memref_squeeze %dma_start3A_122 : memref<1x1x64xf32, #tpu.memory_space<hbm>> -> memref<64xf32, #tpu.memory_space<hbm>>
    %dma_start3A_124 = arith.constant 0 : i32
    %dma_start3A_125 = tpu.memref_slice %arg4[%add3A, %dma_start3A_117, %dma_start3A_124] : memref<32x8x64xf32, #tpu.memory_space<hbm>> -> memref<1x1x64xf32, #tpu.memory_space<hbm>>
    %dma_start3A_126 = tpu.memref_squeeze %dma_start3A_125 : memref<1x1x64xf32, #tpu.memory_space<hbm>> -> memref<64xf32, #tpu.memory_space<hbm>>
    %dma_start3A_127 = arith.constant 0 : i32
    %dma_start3A_128 = tpu.memref_slice %arg6[%dma_start3A_116, %dma_start3A_127] : memref<8x64xf32, #tpu.memory_space<vmem>> -> memref<1x64xf32, #tpu.memory_space<vmem>>
    %dma_start3A_129 = tpu.memref_squeeze %dma_start3A_128 : memref<1x64xf32, #tpu.memory_space<vmem>> -> memref<64xf32, #tpu.memory_space<vmem>>
    tpu.enqueue_dma source(%dma_start3A_129 : memref<64xf32, #tpu.memory_space<vmem>>) target(%dma_start3A_126 : memref<64xf32, #tpu.memory_space<hbm>>) target_semaphore(%arg8 : memref<!tpu.dma_semaphore, #tpu.memory_space<semaphore_mem>>)
    %dma_wait3A_130 = arith.constant 1 : i32
    %dma_wait3A_131 = arith.constant 1 : i32
    %dma_wait3A_132 = arith.constant 1 : i32
    %dma_wait3A_133 = arith.constant 0 : i32
    %dma_wait3A_134 = tpu.memref_slice %arg6[%dma_wait3A_131, %dma_wait3A_133] : memref<8x64xf32, #tpu.memory_space<vmem>> -> memref<1x64xf32, #tpu.memory_space<vmem>>
    %dma_wait3A_135 = tpu.memref_squeeze %dma_wait3A_134 : memref<1x64xf32, #tpu.memory_space<vmem>> -> memref<64xf32, #tpu.memory_space<vmem>>
    %dma_wait3A_136 = arith.constant 0 : i32
    %dma_wait3A_137 = tpu.memref_slice %arg5[%dma_wait3A_130, %dma_wait3A_136] : memref<8x64xi32, #tpu.memory_space<vmem>> -> memref<1x64xi32, #tpu.memory_space<vmem>>
    %dma_wait3A_138 = tpu.memref_squeeze %dma_wait3A_137 : memref<1x64xi32, #tpu.memory_space<vmem>> -> memref<64xi32, #tpu.memory_space<vmem>>
    %dma_wait3A_139 = arith.constant 0 : i32
    %dma_wait3A_140 = tpu.memref_slice %arg3[%dma_wait3A_139] : memref<1000000xf32, #tpu.memory_space<hbm>> -> memref<1000000xf32, #tpu.memory_space<hbm>>
    %dma_wait3A_141 = tpu.memref_slice %arg7[%dma_wait3A_132] : memref<8x!tpu.dma_semaphore, #tpu.memory_space<semaphore_mem>> -> memref<1x!tpu.dma_semaphore, #tpu.memory_space<semaphore_mem>>
    %dma_wait3A_142 = tpu.memref_squeeze %dma_wait3A_141 : memref<1x!tpu.dma_semaphore, #tpu.memory_space<semaphore_mem>> -> memref<!tpu.dma_semaphore, #tpu.memory_space<semaphore_mem>>
    tpu.wait_indirect_dma semaphore(%dma_wait3A_142 : memref<!tpu.dma_semaphore, #tpu.memory_space<semaphore_mem>>) src(%dma_wait3A_140 : memref<1000000xf32, #tpu.memory_space<hbm>>) dst(%dma_wait3A_135 : memref<64xf32, #tpu.memory_space<vmem>>)
    %dma_start3A_143 = arith.constant 1 : i32
    %dma_start3A_144 = arith.constant 1 : i32
    %dma_start3A_145 = arith.constant 0 : i32
    %dma_start3A_146 = tpu.memref_slice %arg6[%dma_start3A_143, %dma_start3A_145] : memref<8x64xf32, #tpu.memory_space<vmem>> -> memref<1x64xf32, #tpu.memory_space<vmem>>
    %dma_start3A_147 = tpu.memref_squeeze %dma_start3A_146 : memref<1x64xf32, #tpu.memory_space<vmem>> -> memref<64xf32, #tpu.memory_space<vmem>>
    %dma_start3A_148 = arith.constant 0 : i32
    %dma_start3A_149 = tpu.memref_slice %arg4[%add3A, %dma_start3A_144, %dma_start3A_148] : memref<32x8x64xf32, #tpu.memory_space<hbm>> -> memref<1x1x64xf32, #tpu.memory_space<hbm>>
    %dma_start3A_150 = tpu.memref_squeeze %dma_start3A_149 : memref<1x1x64xf32, #tpu.memory_space<hbm>> -> memref<64xf32, #tpu.memory_space<hbm>>
    %dma_start3A_151 = arith.constant 0 : i32
    %dma_start3A_152 = tpu.memref_slice %arg4[%add3A, %dma_start3A_144, %dma_start3A_151] : memref<32x8x64xf32, #tpu.memory_space<hbm>> -> memref<1x1x64xf32, #tpu.memory_space<hbm>>
    %dma_start3A_153 = tpu.memref_squeeze %dma_start3A_152 : memref<1x1x64xf32, #tpu.memory_space<hbm>> -> memref<64xf32, #tpu.memory_space<hbm>>
    %dma_start3A_154 = arith.constant 0 : i32
    %dma_start3A_155 = tpu.memref_slice %arg6[%dma_start3A_143, %dma_start3A_154] : memref<8x64xf32, #tpu.memory_space<vmem>> -> memref<1x64xf32, #tpu.memory_space<vmem>>
    %dma_start3A_156 = tpu.memref_squeeze %dma_start3A_155 : memref<1x64xf32, #tpu.memory_space<vmem>> -> memref<64xf32, #tpu.memory_space<vmem>>
    tpu.enqueue_dma source(%dma_start3A_156 : memref<64xf32, #tpu.memory_space<vmem>>) target(%dma_start3A_153 : memref<64xf32, #tpu.memory_space<hbm>>) target_semaphore(%arg8 : memref<!tpu.dma_semaphore, #tpu.memory_space<semaphore_mem>>)
    %dma_wait3A_157 = arith.constant 2 : i32
    %dma_wait3A_158 = arith.constant 2 : i32
    %dma_wait3A_159 = arith.constant 2 : i32
    %dma_wait3A_160 = arith.constant 0 : i32
    %dma_wait3A_161 = tpu.memref_slice %arg6[%dma_wait3A_158, %dma_wait3A_160] : memref<8x64xf32, #tpu.memory_space<vmem>> -> memref<1x64xf32, #tpu.memory_space<vmem>>
    %dma_wait3A_162 = tpu.memref_squeeze %dma_wait3A_161 : memref<1x64xf32, #tpu.memory_space<vmem>> -> memref<64xf32, #tpu.memory_space<vmem>>
    %dma_wait3A_163 = arith.constant 0 : i32
    %dma_wait3A_164 = tpu.memref_slice %arg5[%dma_wait3A_157, %dma_wait3A_163] : memref<8x64xi32, #tpu.memory_space<vmem>> -> memref<1x64xi32, #tpu.memory_space<vmem>>
    %dma_wait3A_165 = tpu.memref_squeeze %dma_wait3A_164 : memref<1x64xi32, #tpu.memory_space<vmem>> -> memref<64xi32, #tpu.memory_space<vmem>>
    %dma_wait3A_166 = arith.constant 0 : i32
    %dma_wait3A_167 = tpu.memref_slice %arg3[%dma_wait3A_166] : memref<1000000xf32, #tpu.memory_space<hbm>> -> memref<1000000xf32, #tpu.memory_space<hbm>>
    %dma_wait3A_168 = tpu.memref_slice %arg7[%dma_wait3A_159] : memref<8x!tpu.dma_semaphore, #tpu.memory_space<semaphore_mem>> -> memref<1x!tpu.dma_semaphore, #tpu.memory_space<semaphore_mem>>
    %dma_wait3A_169 = tpu.memref_squeeze %dma_wait3A_168 : memref<1x!tpu.dma_semaphore, #tpu.memory_space<semaphore_mem>> -> memref<!tpu.dma_semaphore, #tpu.memory_space<semaphore_mem>>
    tpu.wait_indirect_dma semaphore(%dma_wait3A_169 : memref<!tpu.dma_semaphore, #tpu.memory_space<semaphore_mem>>) src(%dma_wait3A_167 : memref<1000000xf32, #tpu.memory_space<hbm>>) dst(%dma_wait3A_162 : memref<64xf32, #tpu.memory_space<vmem>>)
    %dma_start3A_170 = arith.constant 2 : i32
    %dma_start3A_171 = arith.constant 2 : i32
    %dma_start3A_172 = arith.constant 0 : i32
    %dma_start3A_173 = tpu.memref_slice %arg6[%dma_start3A_170, %dma_start3A_172] : memref<8x64xf32, #tpu.memory_space<vmem>> -> memref<1x64xf32, #tpu.memory_space<vmem>>
    %dma_start3A_174 = tpu.memref_squeeze %dma_start3A_173 : memref<1x64xf32, #tpu.memory_space<vmem>> -> memref<64xf32, #tpu.memory_space<vmem>>
    %dma_start3A_175 = arith.constant 0 : i32
    %dma_start3A_176 = tpu.memref_slice %arg4[%add3A, %dma_start3A_171, %dma_start3A_175] : memref<32x8x64xf32, #tpu.memory_space<hbm>> -> memref<1x1x64xf32, #tpu.memory_space<hbm>>
    %dma_start3A_177 = tpu.memref_squeeze %dma_start3A_176 : memref<1x1x64xf32, #tpu.memory_space<hbm>> -> memref<64xf32, #tpu.memory_space<hbm>>
    %dma_start3A_178 = arith.constant 0 : i32
    %dma_start3A_179 = tpu.memref_slice %arg4[%add3A, %dma_start3A_171, %dma_start3A_178] : memref<32x8x64xf32, #tpu.memory_space<hbm>> -> memref<1x1x64xf32, #tpu.memory_space<hbm>>
    %dma_start3A_180 = tpu.memref_squeeze %dma_start3A_179 : memref<1x1x64xf32, #tpu.memory_space<hbm>> -> memref<64xf32, #tpu.memory_space<hbm>>
    %dma_start3A_181 = arith.constant 0 : i32
    %dma_start3A_182 = tpu.memref_slice %arg6[%dma_start3A_170, %dma_start3A_181] : memref<8x64xf32, #tpu.memory_space<vmem>> -> memref<1x64xf32, #tpu.memory_space<vmem>>
    %dma_start3A_183 = tpu.memref_squeeze %dma_start3A_182 : memref<1x64xf32, #tpu.memory_space<vmem>> -> memref<64xf32, #tpu.memory_space<vmem>>
    tpu.enqueue_dma source(%dma_start3A_183 : memref<64xf32, #tpu.memory_space<vmem>>) target(%dma_start3A_180 : memref<64xf32, #tpu.memory_space<hbm>>) target_semaphore(%arg8 : memref<!tpu.dma_semaphore, #tpu.memory_space<semaphore_mem>>)
    %dma_wait3A_184 = arith.constant 3 : i32
    %dma_wait3A_185 = arith.constant 3 : i32
    %dma_wait3A_186 = arith.constant 3 : i32
    %dma_wait3A_187 = arith.constant 0 : i32
    %dma_wait3A_188 = tpu.memref_slice %arg6[%dma_wait3A_185, %dma_wait3A_187] : memref<8x64xf32, #tpu.memory_space<vmem>> -> memref<1x64xf32, #tpu.memory_space<vmem>>
    %dma_wait3A_189 = tpu.memref_squeeze %dma_wait3A_188 : memref<1x64xf32, #tpu.memory_space<vmem>> -> memref<64xf32, #tpu.memory_space<vmem>>
    %dma_wait3A_190 = arith.constant 0 : i32
    %dma_wait3A_191 = tpu.memref_slice %arg5[%dma_wait3A_184, %dma_wait3A_190] : memref<8x64xi32, #tpu.memory_space<vmem>> -> memref<1x64xi32, #tpu.memory_space<vmem>>
    %dma_wait3A_192 = tpu.memref_squeeze %dma_wait3A_191 : memref<1x64xi32, #tpu.memory_space<vmem>> -> memref<64xi32, #tpu.memory_space<vmem>>
    %dma_wait3A_193 = arith.constant 0 : i32
    %dma_wait3A_194 = tpu.memref_slice %arg3[%dma_wait3A_193] : memref<1000000xf32, #tpu.memory_space<hbm>> -> memref<1000000xf32, #tpu.memory_space<hbm>>
    %dma_wait3A_195 = tpu.memref_slice %arg7[%dma_wait3A_186] : memref<8x!tpu.dma_semaphore, #tpu.memory_space<semaphore_mem>> -> memref<1x!tpu.dma_semaphore, #tpu.memory_space<semaphore_mem>>
    %dma_wait3A_196 = tpu.memref_squeeze %dma_wait3A_195 : memref<1x!tpu.dma_semaphore, #tpu.memory_space<semaphore_mem>> -> memref<!tpu.dma_semaphore, #tpu.memory_space<semaphore_mem>>
    tpu.wait_indirect_dma semaphore(%dma_wait3A_196 : memref<!tpu.dma_semaphore, #tpu.memory_space<semaphore_mem>>) src(%dma_wait3A_194 : memref<1000000xf32, #tpu.memory_space<hbm>>) dst(%dma_wait3A_189 : memref<64xf32, #tpu.memory_space<vmem>>)
    %dma_start3A_197 = arith.constant 3 : i32
    %dma_start3A_198 = arith.constant 3 : i32
    %dma_start3A_199 = arith.constant 0 : i32
    %dma_start3A_200 = tpu.memref_slice %arg6[%dma_start3A_197, %dma_start3A_199] : memref<8x64xf32, #tpu.memory_space<vmem>> -> memref<1x64xf32, #tpu.memory_space<vmem>>
    %dma_start3A_201 = tpu.memref_squeeze %dma_start3A_200 : memref<1x64xf32, #tpu.memory_space<vmem>> -> memref<64xf32, #tpu.memory_space<vmem>>
    %dma_start3A_202 = arith.constant 0 : i32
    %dma_start3A_203 = tpu.memref_slice %arg4[%add3A, %dma_start3A_198, %dma_start3A_202] : memref<32x8x64xf32, #tpu.memory_space<hbm>> -> memref<1x1x64xf32, #tpu.memory_space<hbm>>
    %dma_start3A_204 = tpu.memref_squeeze %dma_start3A_203 : memref<1x1x64xf32, #tpu.memory_space<hbm>> -> memref<64xf32, #tpu.memory_space<hbm>>
    %dma_start3A_205 = arith.constant 0 : i32
    %dma_start3A_206 = tpu.memref_slice %arg4[%add3A, %dma_start3A_198, %dma_start3A_205] : memref<32x8x64xf32, #tpu.memory_space<hbm>> -> memref<1x1x64xf32, #tpu.memory_space<hbm>>
    %dma_start3A_207 = tpu.memref_squeeze %dma_start3A_206 : memref<1x1x64xf32, #tpu.memory_space<hbm>> -> memref<64xf32, #tpu.memory_space<hbm>>
    %dma_start3A_208 = arith.constant 0 : i32
    %dma_start3A_209 = tpu.memref_slice %arg6[%dma_start3A_197, %dma_start3A_208] : memref<8x64xf32, #tpu.memory_space<vmem>> -> memref<1x64xf32, #tpu.memory_space<vmem>>
    %dma_start3A_210 = tpu.memref_squeeze %dma_start3A_209 : memref<1x64xf32, #tpu.memory_space<vmem>> -> memref<64xf32, #tpu.memory_space<vmem>>
    tpu.enqueue_dma source(%dma_start3A_210 : memref<64xf32, #tpu.memory_space<vmem>>) target(%dma_start3A_207 : memref<64xf32, #tpu.memory_space<hbm>>) target_semaphore(%arg8 : memref<!tpu.dma_semaphore, #tpu.memory_space<semaphore_mem>>)
    %dma_wait3A_211 = arith.constant 4 : i32
    %dma_wait3A_212 = arith.constant 4 : i32
    %dma_wait3A_213 = arith.constant 4 : i32
    %dma_wait3A_214 = arith.constant 0 : i32
    %dma_wait3A_215 = tpu.memref_slice %arg6[%dma_wait3A_212, %dma_wait3A_214] : memref<8x64xf32, #tpu.memory_space<vmem>> -> memref<1x64xf32, #tpu.memory_space<vmem>>
    %dma_wait3A_216 = tpu.memref_squeeze %dma_wait3A_215 : memref<1x64xf32, #tpu.memory_space<vmem>> -> memref<64xf32, #tpu.memory_space<vmem>>
    %dma_wait3A_217 = arith.constant 0 : i32
    %dma_wait3A_218 = tpu.memref_slice %arg5[%dma_wait3A_211, %dma_wait3A_217] : memref<8x64xi32, #tpu.memory_space<vmem>> -> memref<1x64xi32, #tpu.memory_space<vmem>>
    %dma_wait3A_219 = tpu.memref_squeeze %dma_wait3A_218 : memref<1x64xi32, #tpu.memory_space<vmem>> -> memref<64xi32, #tpu.memory_space<vmem>>
    %dma_wait3A_220 = arith.constant 0 : i32
    %dma_wait3A_221 = tpu.memref_slice %arg3[%dma_wait3A_220] : memref<1000000xf32, #tpu.memory_space<hbm>> -> memref<1000000xf32, #tpu.memory_space<hbm>>
    %dma_wait3A_222 = tpu.memref_slice %arg7[%dma_wait3A_213] : memref<8x!tpu.dma_semaphore, #tpu.memory_space<semaphore_mem>> -> memref<1x!tpu.dma_semaphore, #tpu.memory_space<semaphore_mem>>
    %dma_wait3A_223 = tpu.memref_squeeze %dma_wait3A_222 : memref<1x!tpu.dma_semaphore, #tpu.memory_space<semaphore_mem>> -> memref<!tpu.dma_semaphore, #tpu.memory_space<semaphore_mem>>
    tpu.wait_indirect_dma semaphore(%dma_wait3A_223 : memref<!tpu.dma_semaphore, #tpu.memory_space<semaphore_mem>>) src(%dma_wait3A_221 : memref<1000000xf32, #tpu.memory_space<hbm>>) dst(%dma_wait3A_216 : memref<64xf32, #tpu.memory_space<vmem>>)
    %dma_start3A_224 = arith.constant 4 : i32
    %dma_start3A_225 = arith.constant 4 : i32
    %dma_start3A_226 = arith.constant 0 : i32
    %dma_start3A_227 = tpu.memref_slice %arg6[%dma_start3A_224, %dma_start3A_226] : memref<8x64xf32, #tpu.memory_space<vmem>> -> memref<1x64xf32, #tpu.memory_space<vmem>>
    %dma_start3A_228 = tpu.memref_squeeze %dma_start3A_227 : memref<1x64xf32, #tpu.memory_space<vmem>> -> memref<64xf32, #tpu.memory_space<vmem>>
    %dma_start3A_229 = arith.constant 0 : i32
    %dma_start3A_230 = tpu.memref_slice %arg4[%add3A, %dma_start3A_225, %dma_start3A_229] : memref<32x8x64xf32, #tpu.memory_space<hbm>> -> memref<1x1x64xf32, #tpu.memory_space<hbm>>
    %dma_start3A_231 = tpu.memref_squeeze %dma_start3A_230 : memref<1x1x64xf32, #tpu.memory_space<hbm>> -> memref<64xf32, #tpu.memory_space<hbm>>
    %dma_start3A_232 = arith.constant 0 : i32
    %dma_start3A_233 = tpu.memref_slice %arg4[%add3A, %dma_start3A_225, %dma_start3A_232] : memref<32x8x64xf32, #tpu.memory_space<hbm>> -> memref<1x1x64xf32, #tpu.memory_space<hbm>>
    %dma_start3A_234 = tpu.memref_squeeze %dma_start3A_233 : memref<1x1x64xf32, #tpu.memory_space<hbm>> -> memref<64xf32, #tpu.memory_space<hbm>>
    %dma_start3A_235 = arith.constant 0 : i32
    %dma_start3A_236 = tpu.memref_slice %arg6[%dma_start3A_224, %dma_start3A_235] : memref<8x64xf32, #tpu.memory_space<vmem>> -> memref<1x64xf32, #tpu.memory_space<vmem>>
    %dma_start3A_237 = tpu.memref_squeeze %dma_start3A_236 : memref<1x64xf32, #tpu.memory_space<vmem>> -> memref<64xf32, #tpu.memory_space<vmem>>
    tpu.enqueue_dma source(%dma_start3A_237 : memref<64xf32, #tpu.memory_space<vmem>>) target(%dma_start3A_234 : memref<64xf32, #tpu.memory_space<hbm>>) target_semaphore(%arg8 : memref<!tpu.dma_semaphore, #tpu.memory_space<semaphore_mem>>)
    %dma_wait3A_238 = arith.constant 5 : i32
    %dma_wait3A_239 = arith.constant 5 : i32
    %dma_wait3A_240 = arith.constant 5 : i32
    %dma_wait3A_241 = arith.constant 0 : i32
    %dma_wait3A_242 = tpu.memref_slice %arg6[%dma_wait3A_239, %dma_wait3A_241] : memref<8x64xf32, #tpu.memory_space<vmem>> -> memref<1x64xf32, #tpu.memory_space<vmem>>
    %dma_wait3A_243 = tpu.memref_squeeze %dma_wait3A_242 : memref<1x64xf32, #tpu.memory_space<vmem>> -> memref<64xf32, #tpu.memory_space<vmem>>
    %dma_wait3A_244 = arith.constant 0 : i32
    %dma_wait3A_245 = tpu.memref_slice %arg5[%dma_wait3A_238, %dma_wait3A_244] : memref<8x64xi32, #tpu.memory_space<vmem>> -> memref<1x64xi32, #tpu.memory_space<vmem>>
    %dma_wait3A_246 = tpu.memref_squeeze %dma_wait3A_245 : memref<1x64xi32, #tpu.memory_space<vmem>> -> memref<64xi32, #tpu.memory_space<vmem>>
    %dma_wait3A_247 = arith.constant 0 : i32
    %dma_wait3A_248 = tpu.memref_slice %arg3[%dma_wait3A_247] : memref<1000000xf32, #tpu.memory_space<hbm>> -> memref<1000000xf32, #tpu.memory_space<hbm>>
    %dma_wait3A_249 = tpu.memref_slice %arg7[%dma_wait3A_240] : memref<8x!tpu.dma_semaphore, #tpu.memory_space<semaphore_mem>> -> memref<1x!tpu.dma_semaphore, #tpu.memory_space<semaphore_mem>>
    %dma_wait3A_250 = tpu.memref_squeeze %dma_wait3A_249 : memref<1x!tpu.dma_semaphore, #tpu.memory_space<semaphore_mem>> -> memref<!tpu.dma_semaphore, #tpu.memory_space<semaphore_mem>>
    tpu.wait_indirect_dma semaphore(%dma_wait3A_250 : memref<!tpu.dma_semaphore, #tpu.memory_space<semaphore_mem>>) src(%dma_wait3A_248 : memref<1000000xf32, #tpu.memory_space<hbm>>) dst(%dma_wait3A_243 : memref<64xf32, #tpu.memory_space<vmem>>)
    %dma_start3A_251 = arith.constant 5 : i32
    %dma_start3A_252 = arith.constant 5 : i32
    %dma_start3A_253 = arith.constant 0 : i32
    %dma_start3A_254 = tpu.memref_slice %arg6[%dma_start3A_251, %dma_start3A_253] : memref<8x64xf32, #tpu.memory_space<vmem>> -> memref<1x64xf32, #tpu.memory_space<vmem>>
    %dma_start3A_255 = tpu.memref_squeeze %dma_start3A_254 : memref<1x64xf32, #tpu.memory_space<vmem>> -> memref<64xf32, #tpu.memory_space<vmem>>
    %dma_start3A_256 = arith.constant 0 : i32
    %dma_start3A_257 = tpu.memref_slice %arg4[%add3A, %dma_start3A_252, %dma_start3A_256] : memref<32x8x64xf32, #tpu.memory_space<hbm>> -> memref<1x1x64xf32, #tpu.memory_space<hbm>>
    %dma_start3A_258 = tpu.memref_squeeze %dma_start3A_257 : memref<1x1x64xf32, #tpu.memory_space<hbm>> -> memref<64xf32, #tpu.memory_space<hbm>>
    %dma_start3A_259 = arith.constant 0 : i32
    %dma_start3A_260 = tpu.memref_slice %arg4[%add3A, %dma_start3A_252, %dma_start3A_259] : memref<32x8x64xf32, #tpu.memory_space<hbm>> -> memref<1x1x64xf32, #tpu.memory_space<hbm>>
    %dma_start3A_261 = tpu.memref_squeeze %dma_start3A_260 : memref<1x1x64xf32, #tpu.memory_space<hbm>> -> memref<64xf32, #tpu.memory_space<hbm>>
    %dma_start3A_262 = arith.constant 0 : i32
    %dma_start3A_263 = tpu.memref_slice %arg6[%dma_start3A_251, %dma_start3A_262] : memref<8x64xf32, #tpu.memory_space<vmem>> -> memref<1x64xf32, #tpu.memory_space<vmem>>
    %dma_start3A_264 = tpu.memref_squeeze %dma_start3A_263 : memref<1x64xf32, #tpu.memory_space<vmem>> -> memref<64xf32, #tpu.memory_space<vmem>>
    tpu.enqueue_dma source(%dma_start3A_264 : memref<64xf32, #tpu.memory_space<vmem>>) target(%dma_start3A_261 : memref<64xf32, #tpu.memory_space<hbm>>) target_semaphore(%arg8 : memref<!tpu.dma_semaphore, #tpu.memory_space<semaphore_mem>>)
    %dma_wait3A_265 = arith.constant 6 : i32
    %dma_wait3A_266 = arith.constant 6 : i32
    %dma_wait3A_267 = arith.constant 6 : i32
    %dma_wait3A_268 = arith.constant 0 : i32
    %dma_wait3A_269 = tpu.memref_slice %arg6[%dma_wait3A_266, %dma_wait3A_268] : memref<8x64xf32, #tpu.memory_space<vmem>> -> memref<1x64xf32, #tpu.memory_space<vmem>>
    %dma_wait3A_270 = tpu.memref_squeeze %dma_wait3A_269 : memref<1x64xf32, #tpu.memory_space<vmem>> -> memref<64xf32, #tpu.memory_space<vmem>>
    %dma_wait3A_271 = arith.constant 0 : i32
    %dma_wait3A_272 = tpu.memref_slice %arg5[%dma_wait3A_265, %dma_wait3A_271] : memref<8x64xi32, #tpu.memory_space<vmem>> -> memref<1x64xi32, #tpu.memory_space<vmem>>
    %dma_wait3A_273 = tpu.memref_squeeze %dma_wait3A_272 : memref<1x64xi32, #tpu.memory_space<vmem>> -> memref<64xi32, #tpu.memory_space<vmem>>
    %dma_wait3A_274 = arith.constant 0 : i32
    %dma_wait3A_275 = tpu.memref_slice %arg3[%dma_wait3A_274] : memref<1000000xf32, #tpu.memory_space<hbm>> -> memref<1000000xf32, #tpu.memory_space<hbm>>
    %dma_wait3A_276 = tpu.memref_slice %arg7[%dma_wait3A_267] : memref<8x!tpu.dma_semaphore, #tpu.memory_space<semaphore_mem>> -> memref<1x!tpu.dma_semaphore, #tpu.memory_space<semaphore_mem>>
    %dma_wait3A_277 = tpu.memref_squeeze %dma_wait3A_276 : memref<1x!tpu.dma_semaphore, #tpu.memory_space<semaphore_mem>> -> memref<!tpu.dma_semaphore, #tpu.memory_space<semaphore_mem>>
    tpu.wait_indirect_dma semaphore(%dma_wait3A_277 : memref<!tpu.dma_semaphore, #tpu.memory_space<semaphore_mem>>) src(%dma_wait3A_275 : memref<1000000xf32, #tpu.memory_space<hbm>>) dst(%dma_wait3A_270 : memref<64xf32, #tpu.memory_space<vmem>>)
    %dma_start3A_278 = arith.constant 6 : i32
    %dma_start3A_279 = arith.constant 6 : i32
    %dma_start3A_280 = arith.constant 0 : i32
    %dma_start3A_281 = tpu.memref_slice %arg6[%dma_start3A_278, %dma_start3A_280] : memref<8x64xf32, #tpu.memory_space<vmem>> -> memref<1x64xf32, #tpu.memory_space<vmem>>
    %dma_start3A_282 = tpu.memref_squeeze %dma_start3A_281 : memref<1x64xf32, #tpu.memory_space<vmem>> -> memref<64xf32, #tpu.memory_space<vmem>>
    %dma_start3A_283 = arith.constant 0 : i32
    %dma_start3A_284 = tpu.memref_slice %arg4[%add3A, %dma_start3A_279, %dma_start3A_283] : memref<32x8x64xf32, #tpu.memory_space<hbm>> -> memref<1x1x64xf32, #tpu.memory_space<hbm>>
    %dma_start3A_285 = tpu.memref_squeeze %dma_start3A_284 : memref<1x1x64xf32, #tpu.memory_space<hbm>> -> memref<64xf32, #tpu.memory_space<hbm>>
    %dma_start3A_286 = arith.constant 0 : i32
    %dma_start3A_287 = tpu.memref_slice %arg4[%add3A, %dma_start3A_279, %dma_start3A_286] : memref<32x8x64xf32, #tpu.memory_space<hbm>> -> memref<1x1x64xf32, #tpu.memory_space<hbm>>
    %dma_start3A_288 = tpu.memref_squeeze %dma_start3A_287 : memref<1x1x64xf32, #tpu.memory_space<hbm>> -> memref<64xf32, #tpu.memory_space<hbm>>
    %dma_start3A_289 = arith.constant 0 : i32
    %dma_start3A_290 = tpu.memref_slice %arg6[%dma_start3A_278, %dma_start3A_289] : memref<8x64xf32, #tpu.memory_space<vmem>> -> memref<1x64xf32, #tpu.memory_space<vmem>>
    %dma_start3A_291 = tpu.memref_squeeze %dma_start3A_290 : memref<1x64xf32, #tpu.memory_space<vmem>> -> memref<64xf32, #tpu.memory_space<vmem>>
    tpu.enqueue_dma source(%dma_start3A_291 : memref<64xf32, #tpu.memory_space<vmem>>) target(%dma_start3A_288 : memref<64xf32, #tpu.memory_space<hbm>>) target_semaphore(%arg8 : memref<!tpu.dma_semaphore, #tpu.memory_space<semaphore_mem>>)
    %dma_wait3A_292 = arith.constant 7 : i32
    %dma_wait3A_293 = arith.constant 7 : i32
    %dma_wait3A_294 = arith.constant 7 : i32
    %dma_wait3A_295 = arith.constant 0 : i32
    %dma_wait3A_296 = tpu.memref_slice %arg6[%dma_wait3A_293, %dma_wait3A_295] : memref<8x64xf32, #tpu.memory_space<vmem>> -> memref<1x64xf32, #tpu.memory_space<vmem>>
    %dma_wait3A_297 = tpu.memref_squeeze %dma_wait3A_296 : memref<1x64xf32, #tpu.memory_space<vmem>> -> memref<64xf32, #tpu.memory_space<vmem>>
    %dma_wait3A_298 = arith.constant 0 : i32
    %dma_wait3A_299 = tpu.memref_slice %arg5[%dma_wait3A_292, %dma_wait3A_298] : memref<8x64xi32, #tpu.memory_space<vmem>> -> memref<1x64xi32, #tpu.memory_space<vmem>>
    %dma_wait3A_300 = tpu.memref_squeeze %dma_wait3A_299 : memref<1x64xi32, #tpu.memory_space<vmem>> -> memref<64xi32, #tpu.memory_space<vmem>>
    %dma_wait3A_301 = arith.constant 0 : i32
    %dma_wait3A_302 = tpu.memref_slice %arg3[%dma_wait3A_301] : memref<1000000xf32, #tpu.memory_space<hbm>> -> memref<1000000xf32, #tpu.memory_space<hbm>>
    %dma_wait3A_303 = tpu.memref_slice %arg7[%dma_wait3A_294] : memref<8x!tpu.dma_semaphore, #tpu.memory_space<semaphore_mem>> -> memref<1x!tpu.dma_semaphore, #tpu.memory_space<semaphore_mem>>
    %dma_wait3A_304 = tpu.memref_squeeze %dma_wait3A_303 : memref<1x!tpu.dma_semaphore, #tpu.memory_space<semaphore_mem>> -> memref<!tpu.dma_semaphore, #tpu.memory_space<semaphore_mem>>
    tpu.wait_indirect_dma semaphore(%dma_wait3A_304 : memref<!tpu.dma_semaphore, #tpu.memory_space<semaphore_mem>>) src(%dma_wait3A_302 : memref<1000000xf32, #tpu.memory_space<hbm>>) dst(%dma_wait3A_297 : memref<64xf32, #tpu.memory_space<vmem>>)
    %dma_start3A_305 = arith.constant 7 : i32
    %dma_start3A_306 = arith.constant 7 : i32
    %dma_start3A_307 = arith.constant 0 : i32
    %dma_start3A_308 = tpu.memref_slice %arg6[%dma_start3A_305, %dma_start3A_307] : memref<8x64xf32, #tpu.memory_space<vmem>> -> memref<1x64xf32, #tpu.memory_space<vmem>>
    %dma_start3A_309 = tpu.memref_squeeze %dma_start3A_308 : memref<1x64xf32, #tpu.memory_space<vmem>> -> memref<64xf32, #tpu.memory_space<vmem>>
    %dma_start3A_310 = arith.constant 0 : i32
    %dma_start3A_311 = tpu.memref_slice %arg4[%add3A, %dma_start3A_306, %dma_start3A_310] : memref<32x8x64xf32, #tpu.memory_space<hbm>> -> memref<1x1x64xf32, #tpu.memory_space<hbm>>
    %dma_start3A_312 = tpu.memref_squeeze %dma_start3A_311 : memref<1x1x64xf32, #tpu.memory_space<hbm>> -> memref<64xf32, #tpu.memory_space<hbm>>
    %dma_start3A_313 = arith.constant 0 : i32
    %dma_start3A_314 = tpu.memref_slice %arg4[%add3A, %dma_start3A_306, %dma_start3A_313] : memref<32x8x64xf32, #tpu.memory_space<hbm>> -> memref<1x1x64xf32, #tpu.memory_space<hbm>>
    %dma_start3A_315 = tpu.memref_squeeze %dma_start3A_314 : memref<1x1x64xf32, #tpu.memory_space<hbm>> -> memref<64xf32, #tpu.memory_space<hbm>>
    %dma_start3A_316 = arith.constant 0 : i32
    %dma_start3A_317 = tpu.memref_slice %arg6[%dma_start3A_305, %dma_start3A_316] : memref<8x64xf32, #tpu.memory_space<vmem>> -> memref<1x64xf32, #tpu.memory_space<vmem>>
    %dma_start3A_318 = tpu.memref_squeeze %dma_start3A_317 : memref<1x64xf32, #tpu.memory_space<vmem>> -> memref<64xf32, #tpu.memory_space<vmem>>
    tpu.enqueue_dma source(%dma_start3A_318 : memref<64xf32, #tpu.memory_space<vmem>>) target(%dma_start3A_315 : memref<64xf32, #tpu.memory_space<hbm>>) target_semaphore(%arg8 : memref<!tpu.dma_semaphore, #tpu.memory_space<semaphore_mem>>)
    %dma_wait3A_319 = arith.constant 0 : i32
    %dma_wait3A_320 = arith.constant 0 : i32
    %dma_wait3A_321 = arith.constant 0 : i32
    %dma_wait3A_322 = tpu.memref_slice %arg6[%dma_wait3A_319, %dma_wait3A_321] : memref<8x64xf32, #tpu.memory_space<vmem>> -> memref<1x64xf32, #tpu.memory_space<vmem>>
    %dma_wait3A_323 = tpu.memref_squeeze %dma_wait3A_322 : memref<1x64xf32, #tpu.memory_space<vmem>> -> memref<64xf32, #tpu.memory_space<vmem>>
    %dma_wait3A_324 = arith.constant 0 : i32
    %dma_wait3A_325 = tpu.memref_slice %arg4[%add3A, %dma_wait3A_320, %dma_wait3A_324] : memref<32x8x64xf32, #tpu.memory_space<hbm>> -> memref<1x1x64xf32, #tpu.memory_space<hbm>>
    %dma_wait3A_326 = tpu.memref_squeeze %dma_wait3A_325 : memref<1x1x64xf32, #tpu.memory_space<hbm>> -> memref<64xf32, #tpu.memory_space<hbm>>
    %dma_wait3A_327 = arith.constant 0 : i32
    %dma_wait3A_328 = tpu.memref_slice %arg4[%add3A, %dma_wait3A_320, %dma_wait3A_327] : memref<32x8x64xf32, #tpu.memory_space<hbm>> -> memref<1x1x64xf32, #tpu.memory_space<hbm>>
    %dma_wait3A_329 = tpu.memref_squeeze %dma_wait3A_328 : memref<1x1x64xf32, #tpu.memory_space<hbm>> -> memref<64xf32, #tpu.memory_space<hbm>>
    %dma_wait3A_330 = arith.constant 0 : i32
    %dma_wait3A_331 = tpu.memref_slice %arg6[%dma_wait3A_319, %dma_wait3A_330] : memref<8x64xf32, #tpu.memory_space<vmem>> -> memref<1x64xf32, #tpu.memory_space<vmem>>
    %dma_wait3A_332 = tpu.memref_squeeze %dma_wait3A_331 : memref<1x64xf32, #tpu.memory_space<vmem>> -> memref<64xf32, #tpu.memory_space<vmem>>
    tpu.wait_dma2 semaphore(%arg8 : memref<!tpu.dma_semaphore, #tpu.memory_space<semaphore_mem>>) src(%dma_wait3A_332 : memref<64xf32, #tpu.memory_space<vmem>>) dst(%dma_wait3A_329 : memref<64xf32, #tpu.memory_space<hbm>>)
    %dma_wait3A_333 = arith.constant 1 : i32
    %dma_wait3A_334 = arith.constant 1 : i32
    %dma_wait3A_335 = arith.constant 0 : i32
    %dma_wait3A_336 = tpu.memref_slice %arg6[%dma_wait3A_333, %dma_wait3A_335] : memref<8x64xf32, #tpu.memory_space<vmem>> -> memref<1x64xf32, #tpu.memory_space<vmem>>
    %dma_wait3A_337 = tpu.memref_squeeze %dma_wait3A_336 : memref<1x64xf32, #tpu.memory_space<vmem>> -> memref<64xf32, #tpu.memory_space<vmem>>
    %dma_wait3A_338 = arith.constant 0 : i32
    %dma_wait3A_339 = tpu.memref_slice %arg4[%add3A, %dma_wait3A_334, %dma_wait3A_338] : memref<32x8x64xf32, #tpu.memory_space<hbm>> -> memref<1x1x64xf32, #tpu.memory_space<hbm>>
    %dma_wait3A_340 = tpu.memref_squeeze %dma_wait3A_339 : memref<1x1x64xf32, #tpu.memory_space<hbm>> -> memref<64xf32, #tpu.memory_space<hbm>>
    %dma_wait3A_341 = arith.constant 0 : i32
    %dma_wait3A_342 = tpu.memref_slice %arg4[%add3A, %dma_wait3A_334, %dma_wait3A_341] : memref<32x8x64xf32, #tpu.memory_space<hbm>> -> memref<1x1x64xf32, #tpu.memory_space<hbm>>
    %dma_wait3A_343 = tpu.memref_squeeze %dma_wait3A_342 : memref<1x1x64xf32, #tpu.memory_space<hbm>> -> memref<64xf32, #tpu.memory_space<hbm>>
    %dma_wait3A_344 = arith.constant 0 : i32
    %dma_wait3A_345 = tpu.memref_slice %arg6[%dma_wait3A_333, %dma_wait3A_344] : memref<8x64xf32, #tpu.memory_space<vmem>> -> memref<1x64xf32, #tpu.memory_space<vmem>>
    %dma_wait3A_346 = tpu.memref_squeeze %dma_wait3A_345 : memref<1x64xf32, #tpu.memory_space<vmem>> -> memref<64xf32, #tpu.memory_space<vmem>>
    tpu.wait_dma2 semaphore(%arg8 : memref<!tpu.dma_semaphore, #tpu.memory_space<semaphore_mem>>) src(%dma_wait3A_346 : memref<64xf32, #tpu.memory_space<vmem>>) dst(%dma_wait3A_343 : memref<64xf32, #tpu.memory_space<hbm>>)
    %dma_wait3A_347 = arith.constant 2 : i32
    %dma_wait3A_348 = arith.constant 2 : i32
    %dma_wait3A_349 = arith.constant 0 : i32
    %dma_wait3A_350 = tpu.memref_slice %arg6[%dma_wait3A_347, %dma_wait3A_349] : memref<8x64xf32, #tpu.memory_space<vmem>> -> memref<1x64xf32, #tpu.memory_space<vmem>>
    %dma_wait3A_351 = tpu.memref_squeeze %dma_wait3A_350 : memref<1x64xf32, #tpu.memory_space<vmem>> -> memref<64xf32, #tpu.memory_space<vmem>>
    %dma_wait3A_352 = arith.constant 0 : i32
    %dma_wait3A_353 = tpu.memref_slice %arg4[%add3A, %dma_wait3A_348, %dma_wait3A_352] : memref<32x8x64xf32, #tpu.memory_space<hbm>> -> memref<1x1x64xf32, #tpu.memory_space<hbm>>
    %dma_wait3A_354 = tpu.memref_squeeze %dma_wait3A_353 : memref<1x1x64xf32, #tpu.memory_space<hbm>> -> memref<64xf32, #tpu.memory_space<hbm>>
    %dma_wait3A_355 = arith.constant 0 : i32
    %dma_wait3A_356 = tpu.memref_slice %arg4[%add3A, %dma_wait3A_348, %dma_wait3A_355] : memref<32x8x64xf32, #tpu.memory_space<hbm>> -> memref<1x1x64xf32, #tpu.memory_space<hbm>>
    %dma_wait3A_357 = tpu.memref_squeeze %dma_wait3A_356 : memref<1x1x64xf32, #tpu.memory_space<hbm>> -> memref<64xf32, #tpu.memory_space<hbm>>
    %dma_wait3A_358 = arith.constant 0 : i32
    %dma_wait3A_359 = tpu.memref_slice %arg6[%dma_wait3A_347, %dma_wait3A_358] : memref<8x64xf32, #tpu.memory_space<vmem>> -> memref<1x64xf32, #tpu.memory_space<vmem>>
    %dma_wait3A_360 = tpu.memref_squeeze %dma_wait3A_359 : memref<1x64xf32, #tpu.memory_space<vmem>> -> memref<64xf32, #tpu.memory_space<vmem>>
    tpu.wait_dma2 semaphore(%arg8 : memref<!tpu.dma_semaphore, #tpu.memory_space<semaphore_mem>>) src(%dma_wait3A_360 : memref<64xf32, #tpu.memory_space<vmem>>) dst(%dma_wait3A_357 : memref<64xf32, #tpu.memory_space<hbm>>)
    %dma_wait3A_361 = arith.constant 3 : i32
    %dma_wait3A_362 = arith.constant 3 : i32
    %dma_wait3A_363 = arith.constant 0 : i32
    %dma_wait3A_364 = tpu.memref_slice %arg6[%dma_wait3A_361, %dma_wait3A_363] : memref<8x64xf32, #tpu.memory_space<vmem>> -> memref<1x64xf32, #tpu.memory_space<vmem>>
    %dma_wait3A_365 = tpu.memref_squeeze %dma_wait3A_364 : memref<1x64xf32, #tpu.memory_space<vmem>> -> memref<64xf32, #tpu.memory_space<vmem>>
    %dma_wait3A_366 = arith.constant 0 : i32
    %dma_wait3A_367 = tpu.memref_slice %arg4[%add3A, %dma_wait3A_362, %dma_wait3A_366] : memref<32x8x64xf32, #tpu.memory_space<hbm>> -> memref<1x1x64xf32, #tpu.memory_space<hbm>>
    %dma_wait3A_368 = tpu.memref_squeeze %dma_wait3A_367 : memref<1x1x64xf32, #tpu.memory_space<hbm>> -> memref<64xf32, #tpu.memory_space<hbm>>
    %dma_wait3A_369 = arith.constant 0 : i32
    %dma_wait3A_370 = tpu.memref_slice %arg4[%add3A, %dma_wait3A_362, %dma_wait3A_369] : memref<32x8x64xf32, #tpu.memory_space<hbm>> -> memref<1x1x64xf32, #tpu.memory_space<hbm>>
    %dma_wait3A_371 = tpu.memref_squeeze %dma_wait3A_370 : memref<1x1x64xf32, #tpu.memory_space<hbm>> -> memref<64xf32, #tpu.memory_space<hbm>>
    %dma_wait3A_372 = arith.constant 0 : i32
    %dma_wait3A_373 = tpu.memref_slice %arg6[%dma_wait3A_361, %dma_wait3A_372] : memref<8x64xf32, #tpu.memory_space<vmem>> -> memref<1x64xf32, #tpu.memory_space<vmem>>
    %dma_wait3A_374 = tpu.memref_squeeze %dma_wait3A_373 : memref<1x64xf32, #tpu.memory_space<vmem>> -> memref<64xf32, #tpu.memory_space<vmem>>
    tpu.wait_dma2 semaphore(%arg8 : memref<!tpu.dma_semaphore, #tpu.memory_space<semaphore_mem>>) src(%dma_wait3A_374 : memref<64xf32, #tpu.memory_space<vmem>>) dst(%dma_wait3A_371 : memref<64xf32, #tpu.memory_space<hbm>>)
    %dma_wait3A_375 = arith.constant 4 : i32
    %dma_wait3A_376 = arith.constant 4 : i32
    %dma_wait3A_377 = arith.constant 0 : i32
    %dma_wait3A_378 = tpu.memref_slice %arg6[%dma_wait3A_375, %dma_wait3A_377] : memref<8x64xf32, #tpu.memory_space<vmem>> -> memref<1x64xf32, #tpu.memory_space<vmem>>
    %dma_wait3A_379 = tpu.memref_squeeze %dma_wait3A_378 : memref<1x64xf32, #tpu.memory_space<vmem>> -> memref<64xf32, #tpu.memory_space<vmem>>
    %dma_wait3A_380 = arith.constant 0 : i32
    %dma_wait3A_381 = tpu.memref_slice %arg4[%add3A, %dma_wait3A_376, %dma_wait3A_380] : memref<32x8x64xf32, #tpu.memory_space<hbm>> -> memref<1x1x64xf32, #tpu.memory_space<hbm>>
    %dma_wait3A_382 = tpu.memref_squeeze %dma_wait3A_381 : memref<1x1x64xf32, #tpu.memory_space<hbm>> -> memref<64xf32, #tpu.memory_space<hbm>>
    %dma_wait3A_383 = arith.constant 0 : i32
    %dma_wait3A_384 = tpu.memref_slice %arg4[%add3A, %dma_wait3A_376, %dma_wait3A_383] : memref<32x8x64xf32, #tpu.memory_space<hbm>> -> memref<1x1x64xf32, #tpu.memory_space<hbm>>
    %dma_wait3A_385 = tpu.memref_squeeze %dma_wait3A_384 : memref<1x1x64xf32, #tpu.memory_space<hbm>> -> memref<64xf32, #tpu.memory_space<hbm>>
    %dma_wait3A_386 = arith.constant 0 : i32
    %dma_wait3A_387 = tpu.memref_slice %arg6[%dma_wait3A_375, %dma_wait3A_386] : memref<8x64xf32, #tpu.memory_space<vmem>> -> memref<1x64xf32, #tpu.memory_space<vmem>>
    %dma_wait3A_388 = tpu.memref_squeeze %dma_wait3A_387 : memref<1x64xf32, #tpu.memory_space<vmem>> -> memref<64xf32, #tpu.memory_space<vmem>>
    tpu.wait_dma2 semaphore(%arg8 : memref<!tpu.dma_semaphore, #tpu.memory_space<semaphore_mem>>) src(%dma_wait3A_388 : memref<64xf32, #tpu.memory_space<vmem>>) dst(%dma_wait3A_385 : memref<64xf32, #tpu.memory_space<hbm>>)
    %dma_wait3A_389 = arith.constant 5 : i32
    %dma_wait3A_390 = arith.constant 5 : i32
    %dma_wait3A_391 = arith.constant 0 : i32
    %dma_wait3A_392 = tpu.memref_slice %arg6[%dma_wait3A_389, %dma_wait3A_391] : memref<8x64xf32, #tpu.memory_space<vmem>> -> memref<1x64xf32, #tpu.memory_space<vmem>>
    %dma_wait3A_393 = tpu.memref_squeeze %dma_wait3A_392 : memref<1x64xf32, #tpu.memory_space<vmem>> -> memref<64xf32, #tpu.memory_space<vmem>>
    %dma_wait3A_394 = arith.constant 0 : i32
    %dma_wait3A_395 = tpu.memref_slice %arg4[%add3A, %dma_wait3A_390, %dma_wait3A_394] : memref<32x8x64xf32, #tpu.memory_space<hbm>> -> memref<1x1x64xf32, #tpu.memory_space<hbm>>
    %dma_wait3A_396 = tpu.memref_squeeze %dma_wait3A_395 : memref<1x1x64xf32, #tpu.memory_space<hbm>> -> memref<64xf32, #tpu.memory_space<hbm>>
    %dma_wait3A_397 = arith.constant 0 : i32
    %dma_wait3A_398 = tpu.memref_slice %arg4[%add3A, %dma_wait3A_390, %dma_wait3A_397] : memref<32x8x64xf32, #tpu.memory_space<hbm>> -> memref<1x1x64xf32, #tpu.memory_space<hbm>>
    %dma_wait3A_399 = tpu.memref_squeeze %dma_wait3A_398 : memref<1x1x64xf32, #tpu.memory_space<hbm>> -> memref<64xf32, #tpu.memory_space<hbm>>
    %dma_wait3A_400 = arith.constant 0 : i32
    %dma_wait3A_401 = tpu.memref_slice %arg6[%dma_wait3A_389, %dma_wait3A_400] : memref<8x64xf32, #tpu.memory_space<vmem>> -> memref<1x64xf32, #tpu.memory_space<vmem>>
    %dma_wait3A_402 = tpu.memref_squeeze %dma_wait3A_401 : memref<1x64xf32, #tpu.memory_space<vmem>> -> memref<64xf32, #tpu.memory_space<vmem>>
    tpu.wait_dma2 semaphore(%arg8 : memref<!tpu.dma_semaphore, #tpu.memory_space<semaphore_mem>>) src(%dma_wait3A_402 : memref<64xf32, #tpu.memory_space<vmem>>) dst(%dma_wait3A_399 : memref<64xf32, #tpu.memory_space<hbm>>)
    %dma_wait3A_403 = arith.constant 6 : i32
    %dma_wait3A_404 = arith.constant 6 : i32
    %dma_wait3A_405 = arith.constant 0 : i32
    %dma_wait3A_406 = tpu.memref_slice %arg6[%dma_wait3A_403, %dma_wait3A_405] : memref<8x64xf32, #tpu.memory_space<vmem>> -> memref<1x64xf32, #tpu.memory_space<vmem>>
    %dma_wait3A_407 = tpu.memref_squeeze %dma_wait3A_406 : memref<1x64xf32, #tpu.memory_space<vmem>> -> memref<64xf32, #tpu.memory_space<vmem>>
    %dma_wait3A_408 = arith.constant 0 : i32
    %dma_wait3A_409 = tpu.memref_slice %arg4[%add3A, %dma_wait3A_404, %dma_wait3A_408] : memref<32x8x64xf32, #tpu.memory_space<hbm>> -> memref<1x1x64xf32, #tpu.memory_space<hbm>>
    %dma_wait3A_410 = tpu.memref_squeeze %dma_wait3A_409 : memref<1x1x64xf32, #tpu.memory_space<hbm>> -> memref<64xf32, #tpu.memory_space<hbm>>
    %dma_wait3A_411 = arith.constant 0 : i32
    %dma_wait3A_412 = tpu.memref_slice %arg4[%add3A, %dma_wait3A_404, %dma_wait3A_411] : memref<32x8x64xf32, #tpu.memory_space<hbm>> -> memref<1x1x64xf32, #tpu.memory_space<hbm>>
    %dma_wait3A_413 = tpu.memref_squeeze %dma_wait3A_412 : memref<1x1x64xf32, #tpu.memory_space<hbm>> -> memref<64xf32, #tpu.memory_space<hbm>>
    %dma_wait3A_414 = arith.constant 0 : i32
    %dma_wait3A_415 = tpu.memref_slice %arg6[%dma_wait3A_403, %dma_wait3A_414] : memref<8x64xf32, #tpu.memory_space<vmem>> -> memref<1x64xf32, #tpu.memory_space<vmem>>
    %dma_wait3A_416 = tpu.memref_squeeze %dma_wait3A_415 : memref<1x64xf32, #tpu.memory_space<vmem>> -> memref<64xf32, #tpu.memory_space<vmem>>
    tpu.wait_dma2 semaphore(%arg8 : memref<!tpu.dma_semaphore, #tpu.memory_space<semaphore_mem>>) src(%dma_wait3A_416 : memref<64xf32, #tpu.memory_space<vmem>>) dst(%dma_wait3A_413 : memref<64xf32, #tpu.memory_space<hbm>>)
    %dma_wait3A_417 = arith.constant 7 : i32
    %dma_wait3A_418 = arith.constant 7 : i32
    %dma_wait3A_419 = arith.constant 0 : i32
    %dma_wait3A_420 = tpu.memref_slice %arg6[%dma_wait3A_417, %dma_wait3A_419] : memref<8x64xf32, #tpu.memory_space<vmem>> -> memref<1x64xf32, #tpu.memory_space<vmem>>
    %dma_wait3A_421 = tpu.memref_squeeze %dma_wait3A_420 : memref<1x64xf32, #tpu.memory_space<vmem>> -> memref<64xf32, #tpu.memory_space<vmem>>
    %dma_wait3A_422 = arith.constant 0 : i32
    %dma_wait3A_423 = tpu.memref_slice %arg4[%add3A, %dma_wait3A_418, %dma_wait3A_422] : memref<32x8x64xf32, #tpu.memory_space<hbm>> -> memref<1x1x64xf32, #tpu.memory_space<hbm>>
    %dma_wait3A_424 = tpu.memref_squeeze %dma_wait3A_423 : memref<1x1x64xf32, #tpu.memory_space<hbm>> -> memref<64xf32, #tpu.memory_space<hbm>>
    %dma_wait3A_425 = arith.constant 0 : i32
    %dma_wait3A_426 = tpu.memref_slice %arg4[%add3A, %dma_wait3A_418, %dma_wait3A_425] : memref<32x8x64xf32, #tpu.memory_space<hbm>> -> memref<1x1x64xf32, #tpu.memory_space<hbm>>
    %dma_wait3A_427 = tpu.memref_squeeze %dma_wait3A_426 : memref<1x1x64xf32, #tpu.memory_space<hbm>> -> memref<64xf32, #tpu.memory_space<hbm>>
    %dma_wait3A_428 = arith.constant 0 : i32
    %dma_wait3A_429 = tpu.memref_slice %arg6[%dma_wait3A_417, %dma_wait3A_428] : memref<8x64xf32, #tpu.memory_space<vmem>> -> memref<1x64xf32, #tpu.memory_space<vmem>>
    %dma_wait3A_430 = tpu.memref_squeeze %dma_wait3A_429 : memref<1x64xf32, #tpu.memory_space<vmem>> -> memref<64xf32, #tpu.memory_space<vmem>>
    tpu.wait_dma2 semaphore(%arg8 : memref<!tpu.dma_semaphore, #tpu.memory_space<semaphore_mem>>) src(%dma_wait3A_430 : memref<64xf32, #tpu.memory_space<vmem>>) dst(%dma_wait3A_427 : memref<64xf32, #tpu.memory_space<hbm>>)
    return
  }
}

</mosaic_0001>

<sc_bundles>
// kernel: kernel.3.cloned.1.call-start
scs
__scs_entry_jumppad:
0x0: {  	(pc) =	sbr.rel $0x88, $3  }
0x1: {  	(tag) =	ssettag $0x0;
	lr =	simm.s32 $0x1  }
0x2: {  	[smem:$0x3F9F] =	sst lr;
	_ =	strace $0xD0000000  }
0x3: {  	_ = 	snop  }
0x4: {  	_ = 	snop  }
0x5: {  	_ = 	snop  }
0x6: {  	_ = 	snop  }
0x7: {  	_ = 	snop  }
__scs_overlays_trampoline_lowered:
0x8: {  	[smem:$0x3FAE] =	sst s0  }
0x9: {  	[smem:$0x3FAF] =	sst s1  }
0xa: {  	[smem:$0x3FB0] =	sst s2  }
0xb: {  	[smem:$0x3FB1] =	sst s3  }
0xc: {  	[smem:$0x3FB2] =	sst s4  }
0xd: {  	[smem:$0x3FB3] =	sst s5  }
0xe: {  	[smem:$0x3FB4] =	sst s6  }
0xf: {  	[smem:$0x3FB5] =	sst s7  }
0x10: {  	[smem:$0x3FB6] =	sst s8  }
0x11: {  	[smem:$0x3FB7] =	sst s9;
	s0 =	simm.s32 @!p0 $0x0  }
0x12: {  	s1 =	sld [smem:$0x3F9D];
	s0 =	simm.s32 @p0 $0x1  }
0x13: {  	[smem:$0x3FB8] =	sst s0;
	s0 =	simm.s32 @!p1 $0x0  }
0x14: {  	s2 =	sld [smem:$0x3F9C];
	s0 =	simm.s32 @p1 $0x1  }
0x15: {  	[smem:$0x3FB9] =	sst s0;
	s0 =	simm.s32 @!p2 $0x0  }
0x16: {  	s3 =	sld [smem:$0x3FDB];
	s0 =	simm.s32 @p2 $0x1  }
0x17: {  	s4 =	simm.s32 $0x1BF5;
	[smem:$0x3FBB] =	sst s0  }
0x18: {  	s0 =	sld [smem:$0x3F9E];
	_ =	swait.ge [sflag:s4], $0x0  }
0x19: {  	s7 =	sld [smem:$0x3F9F]  }
0x1a: {  	s8 =	sadd.s32 $0xFFFFE003, lr  }
0x1b: {  	s9 =	sadd.s32 $0xFFFFFEF7, lr;
	s5 =	simm.s32 $0xFFFFFFFF;
	p2 =	slt.u32 s8, $0xFFFFF086  }
0x1c: {  	p1 =	slt.u32 s9, $0xF7A;
	s5 =	simm.s32 @!p2 $0x0  }
0x1d: {  	s5 =	simm.s32 @p1 $0x1;
	p0 =	seq.s32 s7, s2  }
0x1e: {  	s7 =	smul.u32 @!p0 $0xF7A, s2;
	p2 =	seq.s32 @!p0 s5, $0x0  }
0x1f: {  	s9 =	smul.u32 $0xF7A, s1;
	s8 =	simm.s32 @!p0 $0x1BF5;
	p2 =	por !p2, p0  }
0x20: {  	[sflag:s8] =	ssyncset.s32 @!p0 $0xFFFFF086;
	s6 =	sadd.s32 @!p0 s3, s7;
	s7 =	simm.s32 @!p0 $0x108  }
0x21: {  	s3 =	sadd.s32 s3, s9;
	s6 =	sadd.s32 @!p0 $0x88, s6;
	s7 =	simm.s32 @p2 $0x1082  }
0x22: {  	[simem:s7], [sflag:s8] =	dma.local @!p0 [hbm:s6], $0xF7A  }
0x23: {  	s9 =	sor.u32 $0xD0000000, s2;
	s6 =	simm.s32 $0x108;
	_ =	swait.ge @!p0 [sflag:s8], $0x0  }
0x24: {  	s3 =	sadd.s32 $0x88, s3;
	s6 =	simm.s32 @!p1 $0x1082;
	[sflag:s4] =	ssyncset.s32 $0xFFFFF086  }
0x25: {  	[simem:s6], [sflag:s4] =	dma.local [hbm:s3], $0xF7A  }
0x26: {  	[smem:$0x3F9F] =	sst s1;
	(tag) =	ssettag s2;
	_ =	strace s9  }
0x27: {  	s1 =	sld [smem:$0x3FAF]  }
0x28: {  	s2 =	sld [smem:$0x3FB0]  }
0x29: {  	s4 =	sld [smem:$0x3FB2]  }
0x2a: {  	p0 =	seq.s32 s5, $0x0;
	s5 =	sld [smem:$0x3FB3]  }
0x2b: {  	s6 =	sld [smem:$0x3FB4]  }
0x2c: {  	s7 =	sld [smem:$0x3FB5]  }
0x2d: {  	s3 =	simm.s32 $0x108;
	s8 =	sld [smem:$0x3FB6]  }
0x2e: {  	s3 =	simm.s32 @!p0 $0x1082;
	s9 =	sld [smem:$0x3FB7]  }
0x2f: {  	lr =	sadd.s32 s0, s3;
	s0 =	sld [smem:$0x3FAE]  }
0x30: {  	s3 =	sld [smem:$0x3FB1]  }
0x31: {  	[smem:$0x3FBA] =	sst s10  }
0x32: {  	s10 =	sld [smem:$0x3FB8];
	_ =	sdelay $0x3  }
0x33: {  	p0 =	seq.s32 s10, $0x1;
	s10 =	sld [smem:$0x3FBA];
	_ =	sdelay $0x3  }
0x34: {  	[smem:$0x3FBA] =	sst s10  }
0x35: {  	s10 =	sld [smem:$0x3FB9];
	_ =	sdelay $0x3  }
0x36: {  	p1 =	seq.s32 s10, $0x1;
	s10 =	sld [smem:$0x3FBA];
	_ =	sdelay $0x3  }
0x37: {  	[smem:$0x3FBA] =	sst s10  }
0x38: {  	s10 =	sld [smem:$0x3FBB]  }
0x39: {  	_ = 	snop;
	(pc) =	sbr.ind lr, $3  }
0x3a: {  	_ = 	snop  }
0x3b: {  	_ = 	snop  }
0x3c: {  	p2 =	seq.s32 s10, $0x1;
	s10 =	sld [smem:$0x3FBA]  }
0x3d: {  	_ =	shalt  }
0x3e: {  	_ =	shalt  }
0x3f: {  	_ =	shalt  }
0x40: {  	_ =	shalt  }
0x41: {  	_ =	shalt  }
0x42: {  	_ =	shalt  }
0x43: {  	_ =	shalt  }
0x44: {  	_ =	shalt  }
0x45: {  	_ =	shalt  }
0x46: {  	_ =	shalt  }
0x47: {  	_ =	shalt  }
0x48: {  	_ =	shalt  }
0x49: {  	_ =	shalt  }
0x4a: {  	_ =	shalt  }
0x4b: {  	_ =	shalt  }
0x4c: {  	_ =	shalt  }
0x4d: {  	_ =	shalt  }
0x4e: {  	_ =	shalt  }
0x4f: {  	_ =	shalt  }
0x50: {  	_ =	shalt  }
0x51: {  	_ =	shalt  }
0x52: {  	_ =	shalt  }
0x53: {  	_ =	shalt  }
0x54: {  	_ =	shalt  }
0x55: {  	_ =	shalt  }
0x56: {  	_ =	shalt  }
0x57: {  	_ =	shalt  }
0x58: {  	_ =	shalt  }
0x59: {  	_ =	shalt  }
0x5a: {  	_ =	shalt  }
0x5b: {  	_ =	shalt  }
0x5c: {  	_ =	shalt  }
0x5d: {  	_ =	shalt  }
0x5e: {  	_ =	shalt  }
0x5f: {  	_ =	shalt  }
0x60: {  	_ =	shalt  }
0x61: {  	_ =	shalt  }
0x62: {  	_ =	shalt  }
0x63: {  	_ =	shalt  }
0x64: {  	_ =	shalt  }
0x65: {  	_ =	shalt  }
0x66: {  	_ =	shalt  }
0x67: {  	_ =	shalt  }
0x68: {  	_ =	shalt  }
0x69: {  	_ =	shalt  }
0x6a: {  	_ =	shalt  }
0x6b: {  	_ =	shalt  }
0x6c: {  	_ =	shalt  }
0x6d: {  	_ =	shalt  }
0x6e: {  	_ =	shalt  }
0x6f: {  	_ =	shalt  }
0x70: {  	_ =	shalt  }
0x71: {  	_ =	shalt  }
0x72: {  	_ =	shalt  }
0x73: {  	_ =	shalt  }
0x74: {  	_ =	shalt  }
0x75: {  	_ =	shalt  }
0x76: {  	_ =	shalt  }
0x77: {  	_ =	shalt  }
0x78: {  	_ =	shalt  }
0x79: {  	_ =	shalt  }
0x7a: {  	_ =	shalt  }
0x7b: {  	_ =	shalt  }
0x7c: {  	_ =	shalt  }
0x7d: {  	_ =	shalt  }
0x7e: {  	_ =	shalt  }
0x7f: {  	_ =	shalt  }
0x80: {  	_ =	shalt  }
0x81: {  	_ =	shalt  }
0x82: {  	_ =	shalt  }
0x83: {  	_ =	shalt  }
0x84: {  	_ =	shalt  }
0x85: {  	_ =	shalt  }
0x86: {  	_ =	shalt  }
0x87: {  	_ =	shalt  }
.Lfunc_end0:
.L_simem_size_0:
called_computation_lowered:
.L_overlay_start_0:
0x88: {  	s2 =	sld [smem:$0x3FD9]  }
0x89: {  	s3 =	sld [smem:$0x3FFE];
	_ =	sdelay $0x1  }
0x8a: {  	s1 =	srdreg.scid  }
0x8b: {  	s0 =	sand.u32 $0x1, s1  }
0x8c: {  	s16 =	sshll.u32 s0, $0xA;
	s2 =	sadd.s32 s3, s2  }
0x8d: {  	s2 =	sadd.s32 s2, s16  }
0x8e: {  	[smem:$0x3FC6] =	sst s2  }
0x8f: {  	_ = 	snop  }
0x90: {  	(tm) =	ssettm $0x1  }
0x91: {  	s17 =	sld [smem:$0x3FFB];
	_ =	sdelay $0x3  }
0x92: {  	_ =	strace s17  }
0x93: {  	s2 =	sld [smem:$0x3FFC];
	_ =	sdelay $0x3  }
0x94: {  	_ =	strace s2  }
0x95: {  	s2 =	sld [smem:$0x3FFD];
	_ =	sdelay $0x3  }
0x96: {  	_ =	strace s2  }
0x97: {  	_ =	strace $0x8FFFFFFF  }
0x98: {  	s18 =	sld [smem:$0x3FDB];
	_ =	sdelay $0x1  }
0x99: {  	s19 =	simm.s32 $_scs_section_size  }
0x9a: {  	s4 =	simm.s32 $_size__tile_overlayer_lowered;
	s5 =	simm.s32 $_tile_overlayer_lowered  }
0x9b: {  	s22 =	simm.s32 $0x1BFF;
	s21 =	sshll.u32 s5, $0x1;
	s2 =	sadd.s32 s19, s18  }
0x9c: {  	s6 =	simm.s32 $0x0;
	s20 =	sshll.u32 s4, $0x1;
	s4 =	sadd.s32 s21, s2  }
0x9d: {  	[timem:s6], [sflag:s22] =	dma.local [hbm:s4], s20  }
0x9e: {  	_ =	swait.ge [sflag:s22], s20  }
0x9f: {  	s3 =	ssub.s32 $0x0, s20;
	[sflag:s22] =	ssyncset.done $0x0  }
0xa0: {  	[sflag:s22] =	ssyncadd.s32 s3;
	_ =	sdelay $0x1  }
0xa1: {  	s23 =	simm.s32 $0x1B8B  }
0xa2: {  	_ =	swait.ge [sflag:s23], $0x1  }
0xa3: {  	[sflag:s23] =	ssyncset.done $0x0  }
0xa4: {  	s25 =	simm.s32 $0x1B8E;
	s24 =	sld [smem:$0x3FFE];
	[sflag:s23] =	ssyncadd.s32 $0xFFFFFFFF  }
0xa5: {  	s26 =	simm.s32 $execute0_lowered;
	[smem:$0x3FD2] =	sst s25  }
0xa6: {  	s4 =	sshll.u32 s26, $0x1;
	_ =	strace $0x80000046;
	[dreg:$0x1] =	wrdreg $0xFFFFFFFF  }
0xa7: {  	s28 =	simm.s32 $_size_execute0_lowered;
	s2 =	sadd.s32 s2, s4;
	[dreg:$0x0] =	wrdreg $0x0  }
0xa8: {  	s4 =	sshll.u32 s28, $0x1;
	[dreg:$0x2] =	wrdreg s2  }
0xa9: {  	[dreg:$0x3] =	wrdreg s4  }
0xaa: {  	[dreg:$0x4] =	wrdreg $0xC0  }
0xab: {  	_ =	task [dreg:s6], $0x5FFFF  }
0xac: {  	[dreg:$0x1] =	wrdreg $0xFFFFFFFF  }
0xad: {  	[dreg:$0x0] =	wrdreg $0x60  }
0xae: {  	[dreg:$0x2] =	wrdreg s24  }
0xaf: {  	[dreg:$0x3] =	wrdreg $0x9  }
0xb0: {  	_ =	task.clear_ibuf [dreg:s6], $0x4FFFF;
	_ =	strace $0x90000046  }
0xb1: {  	s29 =	simm.s32 $0x9;
	_ =	strace $0x80000048  }
0xb2: {  	_ =	swait.ge [sflag:s29], $0x1  }
0xb3: {  	[sflag:s29] =	ssyncadd.s32 $0xFFFFFFFF  }
0xb4: {  	_ =	strace $0x90000048  }
0xb5: {  	_ =	sfence  }
0xb6: {  	s30 =	sld [smem:$0x0];
	_ =	sdelay $0x2  }
0xb7: {  	s31 =	sshll.u32 s1, $0xD;
	s1 =	sshrl.u32 s1, $0x2  }
0xb8: {  	s3 =	sand.u32 $0x4000, s31;
	s1 =	sadd.s32 s1, s30  }
0xb9: {  	s0 =	sor.u32 s3, s0;
	s1 =	sshll.u32 s1, $0x11  }
0xba: {  	s0 =	sor.u32 s1, s0  }
0xbb: {  	s0 =	sadd.s32 $0x8F2B, s0  }
0xbc: {  	[sflag:s0] =	ssyncadd.remote.s32 $0x1  }
0xbd: {  	_ =	sfence.sel $0xFFFF  }
0xbe: {  	[dreg:$0x0] =	wrdreg $0xFFFFFFFF;
	(pc) =	sbr.abs _section_cstart, $3  }
0xbf: {  	[dreg:$0x1] =	wrdreg $0xFFFFFFFF  }
0xc0: {  	_ =	task.clear_ibuf [dreg:s6], $0x2FFFF;
	_ =	strace $0x9FFFFFFF  }
0xc1: {  	(tm) =	ssettm $0x7FFFFFFF  }
tec
execute0_lowered:
.L_overlay_start_1:
0x0: {  	(tag) =	ssettag $0x1  }
0x1: {  	s1 =	srdreg.scid  }
0x2: {  	s0 =	stileid.u32;
	s1 =	sand.u32 $0x1, s1  }
0x3: {  	s3 =	sshll.u32 s0, $0x8;
	s4 =	sshll.u32 s1, $0x7  }
0x4: {  	s5 =	rddreg [dreg:$0x0];
	s2 =	simm.s32 $0x0;
	s3 =	sor.u32 s4, s3  }
0x5: {  	[smem:$0x7FF] =	sst s2;
	s3 =	sadd.s32 s5, s3  }
0x6: {  	_ =	strace $0x80000047;
	s18 =	sadd.s32 $0x1FA00, s3  }
0x7: {  	[tilespmem:s2], [sflag:$0xA] =	stream.linear.gather [hbm4b:s3+s2], $0x400, $0x38;
	[tilespmem:$0x800] =	vst v63  }
0x8: {  	s19 =	sadd.s32 $0x1FA10, s3;
	[dreg:$0x2] =	wrdreg s18  }
0x9: {  	s20 =	sadd.s32 $0x1FA20, s3;
	[dreg:$0x3] =	wrdreg s19  }
0xa: {  	s21 =	sadd.s32 $0x1FA30, s3;
	[dreg:$0x4] =	wrdreg s20  }
0xb: {  	s22 =	sadd.s32 $0x1FA40, s3;
	[dreg:$0x5] =	wrdreg s21  }
0xc: {  	s23 =	sadd.s32 $0x1FA50, s3;
	[dreg:$0x6] =	wrdreg s22  }
0xd: {  	s24 =	sadd.s32 $0x1FA60, s3;
	[dreg:$0x7] =	wrdreg s23  }
0xe: {  	s25 =	sadd.s32 $0x1FA70, s3;
	[dreg:$0x8] =	wrdreg s24  }
0xf: {  	s4 =	simm.s32 $0xA;
	[dreg:$0x9] =	wrdreg s25  }
0x10: {  	_ =	swait.ge [sflag:s4], $0x400  }
0x11: {  	s6 =	simm.s32 $0x40;
	[sflag:s4] =	ssyncset.done $0x0  }
0x12: {  	s7 =	simm.s32 $0x400;
	s5 =	sadd.s32 $0x1000, s5;
	[sflag:s4] =	ssyncadd.s32 $0xFFFFFC00  }
0x13: {  	[tilespmem:s7], [sflag:$0x1] =	stream.indirect.gather [hbm4b:s5+s6], $0x1, s2, s6, $0xb8;
	[tilespmem:$0x800] =	vst v63  }
0x14: {  	s8 =	simm.s32 $0x80;
	s9 =	simm.s32 $0x480  }
0x15: {  	[tilespmem:s9], [sflag:$0x2] =	stream.indirect.gather [hbm4b:s5+s6], $0x1, s8, s6, $0xb8;
	[tilespmem:$0x800] =	vst v63  }
0x16: {  	s10 =	simm.s32 $0x100;
	s11 =	simm.s32 $0x500  }
0x17: {  	[tilespmem:s11], [sflag:$0x3] =	stream.indirect.gather [hbm4b:s5+s6], $0x1, s10, s6, $0xb8;
	[tilespmem:$0x800] =	vst v63  }
0x18: {  	s12 =	simm.s32 $0x180;
	s13 =	simm.s32 $0x580  }
0x19: {  	[tilespmem:s13], [sflag:$0x4] =	stream.indirect.gather [hbm4b:s5+s6], $0x1, s12, s6, $0xb8;
	[tilespmem:$0x800] =	vst v63  }
0x1a: {  	s14 =	simm.s32 $0x200;
	s15 =	simm.s32 $0x600  }
0x1b: {  	[tilespmem:s15], [sflag:$0x5] =	stream.indirect.gather [hbm4b:s5+s6], $0x1, s14, s6, $0xb8;
	[tilespmem:$0x800] =	vst v63  }
0x1c: {  	s16 =	simm.s32 $0x280;
	s17 =	simm.s32 $0x680  }
0x1d: {  	[tilespmem:s17], [sflag:$0x6] =	stream.indirect.gather [hbm4b:s5+s6], $0x1, s16, s6, $0xb8;
	[tilespmem:$0x800] =	vst v63  }
0x1e: {  	s18 =	simm.s32 $0x300;
	s19 =	simm.s32 $0x700  }
0x1f: {  	[tilespmem:s19], [sflag:$0x7] =	stream.indirect.gather [hbm4b:s5+s6], $0x1, s18, s6, $0xb8;
	[tilespmem:$0x800] =	vst v63  }
0x20: {  	s20 =	simm.s32 $0x380;
	s21 =	simm.s32 $0x780;
	s22 =	simm.s32 $0x1  }
0x21: {  	[tilespmem:s21], [sflag:$0x8] =	stream.indirect.gather [hbm4b:s5+s6], $0x1, s20, s6, $0xb8;
	[tilespmem:$0x800] =	vst v63  }
0x22: {  	_ =	swait.ge [sflag:s22], $0x40  }
0x23: {  	[sflag:s22] =	ssyncset.done $0x0  }
0x24: {  	s23 =	simm.s32 $0x2;
	s24 =	rddreg [dreg:$0x2];
	[sflag:s22] =	ssyncadd.s32 $0xFFFFFFC0  }
0x25: {  	[hbm4b:s24+s2] =	stream.linear.scatter [tilespmem:s7], [sflag:$0x9], $0x80, $0x38;
	[tilespmem:$0x800] =	vst v63  }
0x26: {  	_ =	swait.ge [sflag:s23], $0x40  }
0x27: {  	[sflag:s23] =	ssyncset.done $0x0  }
0x28: {  	s24 =	simm.s32 $0x3;
	s26 =	rddreg [dreg:$0x3];
	[sflag:s23] =	ssyncadd.s32 $0xFFFFFFC0  }
0x29: {  	[hbm4b:s26+s2] =	stream.linear.scatter [tilespmem:s9], [sflag:$0x9], $0x80, $0x38;
	[tilespmem:$0x800] =	vst v63  }
0x2a: {  	_ =	swait.ge [sflag:s24], $0x40  }
0x2b: {  	[sflag:s24] =	ssyncset.done $0x0  }
0x2c: {  	s25 =	rddreg [dreg:$0x4];
	[sflag:s24] =	ssyncadd.s32 $0xFFFFFFC0  }
0x2d: {  	[hbm4b:s25+s2] =	stream.linear.scatter [tilespmem:s11], [sflag:$0x9], $0x80, $0x38;
	[tilespmem:$0x800] =	vst v63  }
0x2e: {  	s25 =	simm.s32 $0x4  }
0x2f: {  	_ =	swait.ge [sflag:s25], $0x40  }
0x30: {  	[sflag:s25] =	ssyncset.done $0x0  }
0x31: {  	s26 =	rddreg [dreg:$0x5];
	[sflag:s25] =	ssyncadd.s32 $0xFFFFFFC0  }
0x32: {  	[hbm4b:s26+s2] =	stream.linear.scatter [tilespmem:s13], [sflag:$0x9], $0x80, $0x38;
	[tilespmem:$0x800] =	vst v63  }
0x33: {  	s26 =	simm.s32 $0x5  }
0x34: {  	_ =	swait.ge [sflag:s26], $0x40  }
0x35: {  	[sflag:s26] =	ssyncset.done $0x0  }
0x36: {  	s28 =	rddreg [dreg:$0x6];
	[sflag:s26] =	ssyncadd.s32 $0xFFFFFFC0  }
0x37: {  	[hbm4b:s28+s2] =	stream.linear.scatter [tilespmem:s15], [sflag:$0x9], $0x80, $0x38;
	[tilespmem:$0x800] =	vst v63  }
0x38: {  	s28 =	simm.s32 $0x6  }
0x39: {  	_ =	swait.ge [sflag:s28], $0x40  }
0x3a: {  	[sflag:s28] =	ssyncset.done $0x0  }
0x3b: {  	s29 =	rddreg [dreg:$0x7];
	[sflag:s28] =	ssyncadd.s32 $0xFFFFFFC0  }
0x3c: {  	[hbm4b:s29+s2] =	stream.linear.scatter [tilespmem:s17], [sflag:$0x9], $0x80, $0x38;
	[tilespmem:$0x800] =	vst v63  }
0x3d: {  	s29 =	simm.s32 $0x7  }
0x3e: {  	_ =	swait.ge [sflag:s29], $0x40  }
0x3f: {  	[sflag:s29] =	ssyncset.done $0x0  }
0x40: {  	s30 =	rddreg [dreg:$0x8];
	[sflag:s29] =	ssyncadd.s32 $0xFFFFFFC0  }
0x41: {  	[hbm4b:s30+s2] =	stream.linear.scatter [tilespmem:s19], [sflag:$0x9], $0x80, $0x38;
	[tilespmem:$0x800] =	vst v63  }
0x42: {  	s30 =	simm.s32 $0x8  }
0x43: {  	_ =	swait.ge [sflag:s30], $0x40  }
0x44: {  	[sflag:s30] =	ssyncset.done $0x0  }
0x45: {  	s31 =	rddreg [dreg:$0x9];
	[sflag:s30] =	ssyncadd.s32 $0xFFFFFFC0  }
0x46: {  	[hbm4b:s31+s2] =	stream.linear.scatter [tilespmem:s21], [sflag:$0x9], $0x80, $0x38;
	[tilespmem:$0x800] =	vst v63  }
0x47: {  	s31 =	simm.s32 $0x9  }
0x48: {  	_ =	swait.ge [sflag:s31], $0x80  }
0x49: {  	[sflag:s31] =	ssyncset.done $0x0  }
0x4a: {  	[sflag:s31] =	ssyncadd.s32 $0xFFFFFF80  }
0x4b: {  	_ =	swait.ge [sflag:s31], $0x80  }
0x4c: {  	[sflag:s31] =	ssyncset.done $0x0  }
0x4d: {  	[sflag:s31] =	ssyncadd.s32 $0xFFFFFF80  }
0x4e: {  	_ =	swait.ge [sflag:s31], $0x80  }
0x4f: {  	[sflag:s31] =	ssyncset.done $0x0  }
0x50: {  	[sflag:s31] =	ssyncadd.s32 $0xFFFFFF80  }
0x51: {  	_ =	swait.ge [sflag:s31], $0x80  }
0x52: {  	[sflag:s31] =	ssyncset.done $0x0  }
0x53: {  	[sflag:s31] =	ssyncadd.s32 $0xFFFFFF80  }
0x54: {  	_ =	swait.ge [sflag:s31], $0x80  }
0x55: {  	s1 =	ssub.s32 $0x2, s1;
	[sflag:s31] =	ssyncset.done $0x0  }
0x56: {  	s0 =	sshrl.u32 s1, $0x1;
	[sflag:s31] =	ssyncadd.s32 $0xFFFFFF80  }
0x57: {  	s0 =	ssub.s32 s1, s0;
	_ =	swait.ge [sflag:s31], $0x80  }
0x58: {  	s0 =	smax.u32 s0, $0x1;
	[sflag:s31] =	ssyncset.done $0x0  }
0x59: {  	p0 =	sne.s32 s0, $0x1;
	[sflag:s31] =	ssyncadd.s32 $0xFFFFFF80  }
.Ltmp0:
0x5a: {  	_ =	swait.ge [sflag:s31], $0x80;
	(pc) =	sbr.rel @!p0 .LBB2_2-.Ltmp0, $4  }
0x5b: {  	[sflag:s31] =	ssyncset.done $0x0  }
0x5c: {  	[sflag:s31] =	ssyncadd.s32 $0xFFFFFF80  }
0x5d: {  	_ =	swait.ge [sflag:s31], $0x80  }
0x5e: {  	s1 =	sadd.s32 $0xFFFFFFFF, s0;
	[sflag:s31] =	ssyncset.done $0x0  }
.LBB2_1:
0x5f: {  	[sflag:s31] =	ssyncadd.s32 $0xFFFFFF80  }
0x60: {  	[tilespmem:s2], [sflag:$0xA] =	stream.linear.gather [hbm4b:s3+s2], $0x400, $0x38;
	[tilespmem:$0x800] =	vst v63  }
0x61: {  	_ =	swait.ge [sflag:s4], $0x400  }
0x62: {  	[sflag:s4] =	ssyncset.done $0x0  }
0x63: {  	[sflag:s4] =	ssyncadd.s32 $0xFFFFFC00  }
0x64: {  	[tilespmem:s7], [sflag:$0x1] =	stream.indirect.gather [hbm4b:s5+s6], $0x1, s2, s6, $0xb8;
	[tilespmem:$0x800] =	vst v63  }
0x65: {  	_ = 	snop  }
0x66: {  	[tilespmem:s9], [sflag:$0x2] =	stream.indirect.gather [hbm4b:s5+s6], $0x1, s8, s6, $0xb8;
	[tilespmem:$0x800] =	vst v63  }
0x67: {  	_ = 	snop  }
0x68: {  	[tilespmem:s11], [sflag:$0x3] =	stream.indirect.gather [hbm4b:s5+s6], $0x1, s10, s6, $0xb8;
	[tilespmem:$0x800] =	vst v63  }
0x69: {  	_ = 	snop  }
0x6a: {  	[tilespmem:s13], [sflag:$0x4] =	stream.indirect.gather [hbm4b:s5+s6], $0x1, s12, s6, $0xb8;
	[tilespmem:$0x800] =	vst v63  }
0x6b: {  	_ = 	snop  }
0x6c: {  	[tilespmem:s15], [sflag:$0x5] =	stream.indirect.gather [hbm4b:s5+s6], $0x1, s14, s6, $0xb8;
	[tilespmem:$0x800] =	vst v63  }
0x6d: {  	_ = 	snop  }
0x6e: {  	[tilespmem:s17], [sflag:$0x6] =	stream.indirect.gather [hbm4b:s5+s6], $0x1, s16, s6, $0xb8;
	[tilespmem:$0x800] =	vst v63  }
0x6f: {  	_ = 	snop  }
0x70: {  	[tilespmem:s19], [sflag:$0x7] =	stream.indirect.gather [hbm4b:s5+s6], $0x1, s18, s6, $0xb8;
	[tilespmem:$0x800] =	vst v63  }
0x71: {  	_ = 	snop  }
0x72: {  	[tilespmem:s21], [sflag:$0x8] =	stream.indirect.gather [hbm4b:s5+s6], $0x1, s20, s6, $0xb8;
	[tilespmem:$0x800] =	vst v63  }
0x73: {  	_ =	swait.ge [sflag:s22], $0x40  }
0x74: {  	[sflag:s22] =	ssyncset.done $0x0  }
0x75: {  	s0 =	rddreg [dreg:$0x2];
	[sflag:s22] =	ssyncadd.s32 $0xFFFFFFC0  }
0x76: {  	[hbm4b:s0+s2] =	stream.linear.scatter [tilespmem:s7], [sflag:$0x9], $0x80, $0x38;
	[tilespmem:$0x800] =	vst v63  }
0x77: {  	_ =	swait.ge [sflag:s23], $0x40  }
0x78: {  	[sflag:s23] =	ssyncset.done $0x0  }
0x79: {  	s0 =	rddreg [dreg:$0x3];
	[sflag:s23] =	ssyncadd.s32 $0xFFFFFFC0  }
0x7a: {  	[hbm4b:s0+s2] =	stream.linear.scatter [tilespmem:s9], [sflag:$0x9], $0x80, $0x38;
	[tilespmem:$0x800] =	vst v63  }
0x7b: {  	_ =	swait.ge [sflag:s24], $0x40  }
0x7c: {  	[sflag:s24] =	ssyncset.done $0x0  }
0x7d: {  	s0 =	rddreg [dreg:$0x4];
	[sflag:s24] =	ssyncadd.s32 $0xFFFFFFC0  }
0x7e: {  	[hbm4b:s0+s2] =	stream.linear.scatter [tilespmem:s11], [sflag:$0x9], $0x80, $0x38;
	[tilespmem:$0x800] =	vst v63  }
0x7f: {  	_ =	swait.ge [sflag:s25], $0x40  }
0x80: {  	[sflag:s25] =	ssyncset.done $0x0  }
0x81: {  	s0 =	rddreg [dreg:$0x5];
	[sflag:s25] =	ssyncadd.s32 $0xFFFFFFC0  }
0x82: {  	[hbm4b:s0+s2] =	stream.linear.scatter [tilespmem:s13], [sflag:$0x9], $0x80, $0x38;
	[tilespmem:$0x800] =	vst v63  }
0x83: {  	_ =	swait.ge [sflag:s26], $0x40  }
0x84: {  	[sflag:s26] =	ssyncset.done $0x0  }
0x85: {  	s0 =	rddreg [dreg:$0x6];
	[sflag:s26] =	ssyncadd.s32 $0xFFFFFFC0  }
0x86: {  	[hbm4b:s0+s2] =	stream.linear.scatter [tilespmem:s15], [sflag:$0x9], $0x80, $0x38;
	[tilespmem:$0x800] =	vst v63  }
0x87: {  	_ =	swait.ge [sflag:s28], $0x40  }
0x88: {  	[sflag:s28] =	ssyncset.done $0x0  }
0x89: {  	s0 =	rddreg [dreg:$0x7];
	[sflag:s28] =	ssyncadd.s32 $0xFFFFFFC0  }
0x8a: {  	[hbm4b:s0+s2] =	stream.linear.scatter [tilespmem:s17], [sflag:$0x9], $0x80, $0x38;
	[tilespmem:$0x800] =	vst v63  }
0x8b: {  	_ =	swait.ge [sflag:s29], $0x40  }
0x8c: {  	[sflag:s29] =	ssyncset.done $0x0  }
0x8d: {  	s0 =	rddreg [dreg:$0x8];
	[sflag:s29] =	ssyncadd.s32 $0xFFFFFFC0  }
0x8e: {  	[hbm4b:s0+s2] =	stream.linear.scatter [tilespmem:s19], [sflag:$0x9], $0x80, $0x38;
	[tilespmem:$0x800] =	vst v63  }
0x8f: {  	_ =	swait.ge [sflag:s30], $0x40  }
0x90: {  	[sflag:s30] =	ssyncset.done $0x0  }
0x91: {  	s0 =	rddreg [dreg:$0x9];
	[sflag:s30] =	ssyncadd.s32 $0xFFFFFFC0  }
0x92: {  	[hbm4b:s0+s2] =	stream.linear.scatter [tilespmem:s21], [sflag:$0x9], $0x80, $0x38;
	[tilespmem:$0x800] =	vst v63  }
0x93: {  	_ =	swait.ge [sflag:s31], $0x80  }
0x94: {  	[sflag:s31] =	ssyncset.done $0x0  }
0x95: {  	[sflag:s31] =	ssyncadd.s32 $0xFFFFFF80  }
0x96: {  	_ =	swait.ge [sflag:s31], $0x80  }
0x97: {  	[sflag:s31] =	ssyncset.done $0x0  }
0x98: {  	[sflag:s31] =	ssyncadd.s32 $0xFFFFFF80  }
0x99: {  	_ =	swait.ge [sflag:s31], $0x80  }
0x9a: {  	[sflag:s31] =	ssyncset.done $0x0  }
0x9b: {  	[sflag:s31] =	ssyncadd.s32 $0xFFFFFF80  }
0x9c: {  	_ =	swait.ge [sflag:s31], $0x80  }
0x9d: {  	[sflag:s31] =	ssyncset.done $0x0  }
0x9e: {  	[sflag:s31] =	ssyncadd.s32 $0xFFFFFF80  }
0x9f: {  	_ =	swait.ge [sflag:s31], $0x80  }
0xa0: {  	[sflag:s31] =	ssyncset.done $0x0  }
0xa1: {  	[sflag:s31] =	ssyncadd.s32 $0xFFFFFF80  }
0xa2: {  	_ =	swait.ge [sflag:s31], $0x80  }
0xa3: {  	[sflag:s31] =	ssyncset.done $0x0  }
0xa4: {  	p0 =	sne.s32 s1, $0x1;
	[sflag:s31] =	ssyncadd.s32 $0xFFFFFF80  }
.Ltmp1:
0xa5: {  	_ =	swait.ge [sflag:s31], $0x80;
	(pc) =	sbr.rel @p0 .LBB2_1-.Ltmp1, $4  }
0xa6: {  	[sflag:s31] =	ssyncset.done $0x0  }
0xa7: {  	[sflag:s31] =	ssyncadd.s32 $0xFFFFFF80  }
0xa8: {  	_ =	swait.ge [sflag:s31], $0x80  }
0xa9: {  	s1 =	sadd.s32 $0xFFFFFFFF, s1;
	[sflag:s31] =	ssyncset.done $0x0  }
.LBB2_2:
0xaa: {  	[sflag:s31] =	ssyncadd.s32 $0xFFFFFF80  }
0xab: {  	_ =	sfence.sel $0x180000  }
0xac: {  	[bflag:$0x0] =	sbarrier.arrive $0xFFFF  }
0xad: {  	_ =	strace $0x90000047  }
0xae: {  	s0 =	stileid.u32;
	[bflag:$0x2] =	sbarrier.arrive $0xFFFF  }
0xaf: {  	p0 =	sne.s32 s0, $0x0;
	s0 =	rddreg [dreg:$0x1]  }
0xb0: {  	s0 =	sadd.s32 @!p0 $0x100000, s0  }
0xb1: {  	[sflag:s0] =	ssyncadd.tile.s32 @!p0 $0x1;
	_ =	shalt  }
.Lfunc_end2:
_tile_overlayer_lowered:
.L_overlay_start_2:
0xb2: {  	(tag) =	ssettag $0x2  }
0xb3: {  	s0 =	rddreg [dreg:$0x0];
	s2 =	stileid.u32  }
0xb4: {  	s1 =	rddreg [dreg:$0x1];
	p0 =	sne.s32 s2, $0x0  }
0xb5: {  	s3 =	rddreg [dreg:$0x2];
	[bflag:$0x3] =	sbarrier.arrive $0xFFFF;
	s2 =	simm.s32 @!p0 $0x1C0A  }
0xb6: {  	[timem:s3], [sflag:s2] =	dma.local @!p0 [hbm:s0], s1  }
0xb7: {  	s0 =	simm.s32 @!p0 $0xA  }
0xb8: {  	_ =	swait.ge @!p0 [sflag:s0], s1  }
0xb9: {  	s1 =	ssub.s32 @!p0 $0x0, s1;
	[sflag:s0] =	ssyncset.done @!p0 $0x0  }
0xba: {  	[sflag:s0] =	ssyncadd.s32 @!p0 s1  }
0xbb: {  	[bflag:$0x3] =	sbarrier.arrive $0xFFFF  }
0xbc: {  	_ =	shalt  }

</sc_bundles>
